<compile_context>
chip_gen: v7x
topology: tpu7x:2x2x1
jax: 0.10.2.dev20260603
libtpu: 0.0.44.dev20260713+nightly
codegen_flags: <defaults>
</compile_context>

<pallas_src>
import functools

import jax
import jax.numpy as jnp
from jax import lax
from jax.experimental import pallas as pl
from jax.experimental.pallas import tpu as pltpu
from jax.experimental.pallas import tpu_sc as plsc

START = 2000
NSUB = 8000
D = 128
NTOT = 10000
NE = 128000

NC = 2
NS = 16
NW = NC * NS
L = 16

EROWS = 32
NBIG = 8
DEGP = 8192
ZLEN = DEGP // NS

_mesh = plsc.VectorSubcoreMesh(core_axis_name="c", subcore_axis_name="s")
_sc_params = pltpu.CompilerParams(use_tc_tiling_on_sc=False,
                                  needs_layout_passes=False)


@functools.partial(
    pl.kernel,
    out_type=(jax.ShapeDtypeStruct((DEGP,), jnp.float32),
              jax.ShapeDtypeStruct((DEGP,), jnp.float32)),
    mesh=_mesh,
    scratch_types=[
        pltpu.VMEM((EROWS, 128), jnp.int32),
        pltpu.VMEM((128,), jnp.float32),
        pltpu.VMEM((ZLEN,), jnp.float32),
        pltpu.VMEM_SHARED((DEGP,), jnp.float32),
        pltpu.SemaphoreType.DMA,
        pltpu.SemaphoreType.DMA,
    ],
    compiler_params=_sc_params,
)
def _sc_degree_kernel(adjr, deg0_out, deg1_out, eidx, ones, zbuf, shacc,
                      sem1, sem2):
    c = lax.axis_index("c")
    s = lax.axis_index("s")
    w = c * NS + s

    rowbase = jnp.where(w < NBIG, EROWS * w,
                        EROWS * NBIG + (EROWS - 1) * (w - NBIG))
    edma = pltpu.async_copy(adjr.at[pl.ds(rowbase, EROWS - 1)],
                            eidx.at[pl.ds(0, EROWS - 1)], sem1)

    @pl.when(w < NBIG)
    def _():
        pltpu.sync_copy(adjr.at[pl.ds(rowbase + EROWS - 1, 1)],
                        eidx.at[pl.ds(EROWS - 1, 1)])

    zero16 = jnp.zeros((L,), jnp.float32)
    one16 = jnp.full((L,), 1.0, jnp.float32)
    for k in range(ZLEN // L):
        zbuf[pl.ds(L * k, L)] = zero16
    for k in range(128 // L):
        ones[pl.ds(L * k, L)] = one16
    pltpu.sync_copy(zbuf, shacc.at[pl.ds(s * ZLEN, ZLEN)])

    edma.wait()
    plsc.subcore_barrier()

    descs = [pltpu.async_copy(ones, shacc.at[eidx.at[j]], sem2, add=True)
             for j in range(EROWS - 1)]
    for d_ in descs:
        d_.wait()

    @pl.when(w < NBIG)
    def _():
        dlast = pltpu.async_copy(ones, shacc.at[eidx.at[EROWS - 1]],
                                 sem2, add=True)
        dlast.wait()

    plsc.subcore_barrier()

    @pl.when((s == 0) & (c == 0))
    def _():
        pltpu.sync_copy(shacc, deg0_out)

    @pl.when((s == 0) & (c == 1))
    def _():
        pltpu.sync_copy(shacc, deg1_out)



_CS_BLK = 2000


def _tc_colsum_body(x_ref, o_ref):
    i = pl.program_id(0)

    @pl.when(i == 0)
    def _():
        o_ref[...] = jnp.zeros_like(o_ref)

    o_ref[...] += jnp.sum(x_ref[...], axis=0, keepdims=True)


_tc_colsum = pl.pallas_call(
    _tc_colsum_body,
    grid=(NSUB // _CS_BLK,),
    in_specs=[pl.BlockSpec((_CS_BLK, D), lambda i: (i + START // _CS_BLK, 0))],
    out_specs=pl.BlockSpec((1, D), lambda i: (0, 0)),
    out_shape=jax.ShapeDtypeStruct((1, D), jnp.float32),
)



_UP_BLK = 2000
_HEAD_BLKS = START // _UP_BLK


_NRSEL = 24


def _tc_update_body(x_ref, s_ref, dg_ref, o_ref):
    i = pl.program_id(0)

    @pl.when(i < _HEAD_BLKS)
    def _():
        o_ref[...] = x_ref[...]

    @pl.when(i >= _HEAD_BLKS)
    def _():
        t5 = 1.0 / (1.0 + dg_ref[...])
        base = (i - _HEAD_BLKS) * _UP_BLK
        r0 = base // D
        p = lax.broadcasted_iota(jnp.int32, (_UP_BLK, 1), 0) + base
        rowsel = (p // D - r0 == lax.broadcasted_iota(jnp.int32, (1, _NRSEL), 1))
        b = jnp.dot(rowsel.astype(jnp.float32), t5,
                    precision=lax.Precision.HIGHEST,
                    preferred_element_type=jnp.float32)
        lanesel = (p % D == lax.broadcasted_iota(jnp.int32, (1, D), 1))
        t = jnp.sum(jnp.where(lanesel, b, 0.0), axis=1, keepdims=True)
        s = s_ref[...]
        x = x_ref[...]
        o_ref[...] = (x + s) * (1.0 - s * t)


_tc_update = pl.pallas_call(
    _tc_update_body,
    grid=(NTOT // _UP_BLK,),
    in_specs=[
        pl.BlockSpec((_UP_BLK, D), lambda i: (i, 0)),
        pl.BlockSpec((1, D), lambda i: (0, 0)),
        pl.BlockSpec((_NRSEL, D),
                     lambda i: (jnp.maximum(i - _HEAD_BLKS, 0), 0)),
    ],
    out_specs=pl.BlockSpec((_UP_BLK, D), lambda i: (i, 0)),
    out_shape=jax.ShapeDtypeStruct((NTOT, D), jnp.float32),
)


def kernel(all_node_embedding, adj_nonzero_rows):
    adjr = adj_nonzero_rows.astype(jnp.int32).reshape(NE // D, D)
    d0, d1 = _sc_degree_kernel(adjr)
    s = _tc_colsum(all_node_embedding)
    d64 = (d0 + d1).reshape(DEGP // D, D)
    nblk = NSUB // _UP_BLK
    ridx = ((_UP_BLK * jnp.arange(nblk)[:, None]) // D
            + jnp.arange(_NRSEL)[None, :]).reshape(-1)
    dg = d64[jnp.minimum(ridx, DEGP // D - 1)]
    return _tc_update(all_node_embedding, s, dg)

# --- scband reference (transcript-rebuilt; emitter-appended) ---
"""Pipeline reference for scband-g1-sub1-update-84937273245885 (READ-ONLY COPY).

The authoritative reference and input builder live on the scoring server;
editing this copy changes nothing except your own understanding.
"""

import jax, jax.numpy as jnp
import numpy as np

START_IDX = 2000
N_SUB = 8000
EMBED_DIM = 128
N_TOTAL = 10000
N_EDGES = 128000


def setup_inputs(seed: int = 0) -> dict:
    key = jax.random.key(seed)
    k1, k2 = jax.random.split(key)
    all_node_embedding = jax.random.normal(k1, (N_TOTAL, EMBED_DIM), dtype=jnp.float32)
    # G1_sub1_adj.nonzero()[0] equivalent: sorted row indices of nonzero entries
    adj_nonzero_rows = jnp.sort(jax.random.randint(k2, (N_EDGES,), 0, N_SUB, dtype=jnp.int32))
    return {"all_node_embedding": all_node_embedding, "adj_nonzero_rows": adj_nonzero_rows}


def reference(all_node_embedding, adj_nonzero_rows):
    # node embeddings of the subgraph slice [start_idx:]
    sub = all_node_embedding[START_IDX:]
    # G1_sub1_three_dim_node[:, i, :] = emb[start_idx + i] broadcast over rows,
    # so G1_sub1_three_dim_node.sum(1) has every row equal to sum_i emb[start_idx+i].
    # Compute that column-sum directly (mathematically identical, avoids O(n^2 d) buffer).
    col_sum = jnp.sum(sub, axis=0)  # [d]
    three_dim_sum = jnp.broadcast_to(col_sum[None, :], (N_SUB, EMBED_DIM))
    new_node_embedding = sub + three_dim_sum
    out = all_node_embedding.at[START_IDX:].set(new_node_embedding)
    # sum_arr[r] = 1 + (count of r in adj.nonzero()[0])  (original builds this via a dict loop)
    deg = jnp.bincount(adj_nonzero_rows, length=N_SUB).astype(jnp.float32)
    sum_arr = (1.0 + deg)[:, None]  # [n_sub, 1]
    Iarr = jnp.ones((N_SUB, EMBED_DIM), dtype=jnp.float32)
    new_node_embedding = new_node_embedding * (Iarr - three_dim_sum / sum_arr)
    out = out.at[START_IDX:].set(new_node_embedding)
    return out

if __name__ == "__main__":
    import jax
    _d = setup_inputs()
    print(jax.jit(kernel)(*tuple(_d.values())))

</pallas_src>

<mosaic_0001>
#map = affine_map<(d0, d1) -> (0, 0)>
#map1 = affine_map<(d0, d1) -> (0)>
module attributes {stable_mosaic.version = 14 : i64} {
  func.func @_sc_degree_kernel(%arg0: i32, %arg1: i32, %arg2: memref<1000x128xi32, #tpu.memory_space<hbm>>, %arg3: memref<8192xf32, #tpu.memory_space<hbm>>, %arg4: memref<8192xf32, #tpu.memory_space<hbm>>, %arg5: memref<32x128xi32, #tpu.memory_space<vmem>>, %arg6: memref<128xf32, #tpu.memory_space<vmem>>, %arg7: memref<512xf32, #tpu.memory_space<vmem>>, %arg8: memref<8192xf32, #tpu.memory_space<vmem_shared>>, %arg9: memref<!tpu.dma_semaphore, #tpu.memory_space<semaphore_mem>>, %arg10: memref<!tpu.dma_semaphore, #tpu.memory_space<semaphore_mem>>) attributes {dimension_semantics = [#tpu.dimension_semantics<core_parallel>, #tpu.dimension_semantics<subcore_parallel>], iteration_bounds = array<i64: 2, 16>, scalar_prefetch = 0 : i64, scratch_operands = 6 : i64, tpu.core_type = #tpu.core_type<sc_vector_subcore>, window_params = [{transform_indices = #map}, {transform_indices = #map1}, {transform_indices = #map1}]} {
    %mul3A = arith.constant 16 : i32
    %mul3A_0 = arith.muli %arg0, %mul3A : i32
    %add3A = arith.addi %mul3A_0, %arg1 : i32
    %lt3A = arith.constant 8 : i32
    %lt3A_1 = arith.cmpi slt, %add3A, %lt3A : i32
    %mul3A_2 = arith.constant 32 : i32
    %mul3A_3 = arith.muli %mul3A_2, %add3A : i32
    %sub3A = arith.constant 8 : i32
    %sub3A_4 = arith.subi %add3A, %sub3A : i32
    %mul3A_5 = arith.constant 31 : i32
    %mul3A_6 = arith.muli %mul3A_5, %sub3A_4 : i32
    %add3A_7 = arith.constant 256 : i32
    %add3A_8 = arith.addi %add3A_7, %mul3A_6 : i32
    %select_n3A = arith.select %lt3A_1, %mul3A_3, %add3A_8 : i32
    %dma_start3A = arith.constant 0 : i32
    %dma_start3A_9 = arith.constant 0 : i32
    %dma_start3A_10 = tpu.memref_slice %arg5[%dma_start3A, %dma_start3A_9] : memref<32x128xi32, #tpu.memory_space<vmem>> -> memref<31x128xi32, #tpu.memory_space<vmem>>
    %dma_start3A_11 = arith.constant 0 : i32
    %dma_start3A_12 = tpu.memref_slice %arg2[%select_n3A, %dma_start3A_11] : memref<1000x128xi32, #tpu.memory_space<hbm>> -> memref<31x128xi32, #tpu.memory_space<hbm>>
    %dma_start3A_13 = arith.constant 0 : i32
    %dma_start3A_14 = arith.constant 0 : i32
    %dma_start3A_15 = tpu.memref_slice %arg5[%dma_start3A_13, %dma_start3A_14] : memref<32x128xi32, #tpu.memory_space<vmem>> -> memref<31x128xi32, #tpu.memory_space<vmem>>
    %dma_start3A_16 = arith.constant 0 : i32
    %dma_start3A_17 = tpu.memref_slice %arg2[%select_n3A, %dma_start3A_16] : memref<1000x128xi32, #tpu.memory_space<hbm>> -> memref<31x128xi32, #tpu.memory_space<hbm>>
    tpu.enqueue_dma source(%dma_start3A_17 : memref<31x128xi32, #tpu.memory_space<hbm>>) target(%dma_start3A_15 : memref<31x128xi32, #tpu.memory_space<vmem>>) target_semaphore(%arg9 : memref<!tpu.dma_semaphore, #tpu.memory_space<semaphore_mem>>)
    %lt3A_18 = arith.constant 8 : i32
    %lt3A_19 = arith.cmpi slt, %add3A, %lt3A_18 : i32
    %convert_element_type3A = arith.extui %lt3A_19 : i1 to i32
    %cond3A = arith.constant 0 : i32
    %cond3A_20 = arith.cmpi ne, %convert_element_type3A, %cond3A : i32
    scf.if %cond3A_20 {
      %add3A_506 = arith.constant 32 : i32
      %add3A_507 = arith.addi %select_n3A, %add3A_506 : i32
      %sub3A_508 = arith.constant 1 : i32
      %sub3A_509 = arith.subi %add3A_507, %sub3A_508 : i32
      "tpu.region"() ({
        %run_scoped3A = tpu.sem_alloc : memref<!tpu.dma_semaphore, #tpu.memory_space<semaphore_mem>>
        %dma_start3A_510 = arith.constant 31 : i32
        %dma_start3A_511 = arith.constant 0 : i32
        %dma_start3A_512 = tpu.memref_slice %arg5[%dma_start3A_510, %dma_start3A_511] : memref<32x128xi32, #tpu.memory_space<vmem>> -> memref<1x128xi32, #tpu.memory_space<vmem>>
        %dma_start3A_513 = arith.constant 0 : i32
        %dma_start3A_514 = tpu.memref_slice %arg2[%sub3A_509, %dma_start3A_513] : memref<1000x128xi32, #tpu.memory_space<hbm>> -> memref<1x128xi32, #tpu.memory_space<hbm>>
        %dma_start3A_515 = arith.constant 31 : i32
        %dma_start3A_516 = arith.constant 0 : i32
        %dma_start3A_517 = tpu.memref_slice %arg5[%dma_start3A_515, %dma_start3A_516] : memref<32x128xi32, #tpu.memory_space<vmem>> -> memref<1x128xi32, #tpu.memory_space<vmem>>
        %dma_start3A_518 = arith.constant 0 : i32
        %dma_start3A_519 = tpu.memref_slice %arg2[%sub3A_509, %dma_start3A_518] : memref<1000x128xi32, #tpu.memory_space<hbm>> -> memref<1x128xi32, #tpu.memory_space<hbm>>
        tpu.enqueue_dma source(%dma_start3A_519 : memref<1x128xi32, #tpu.memory_space<hbm>>) target(%dma_start3A_517 : memref<1x128xi32, #tpu.memory_space<vmem>>) target_semaphore(%run_scoped3A : memref<!tpu.dma_semaphore, #tpu.memory_space<semaphore_mem>>)
        %dma_wait3A_520 = arith.constant 31 : i32
        %dma_wait3A_521 = arith.constant 0 : i32
        %dma_wait3A_522 = tpu.memref_slice %arg5[%dma_wait3A_520, %dma_wait3A_521] : memref<32x128xi32, #tpu.memory_space<vmem>> -> memref<1x128xi32, #tpu.memory_space<vmem>>
        %dma_wait3A_523 = arith.constant 0 : i32
        %dma_wait3A_524 = tpu.memref_slice %arg2[%sub3A_509, %dma_wait3A_523] : memref<1000x128xi32, #tpu.memory_space<hbm>> -> memref<1x128xi32, #tpu.memory_space<hbm>>
        %dma_wait3A_525 = arith.constant 31 : i32
        %dma_wait3A_526 = arith.constant 0 : i32
        %dma_wait3A_527 = tpu.memref_slice %arg5[%dma_wait3A_525, %dma_wait3A_526] : memref<32x128xi32, #tpu.memory_space<vmem>> -> memref<1x128xi32, #tpu.memory_space<vmem>>
        %dma_wait3A_528 = arith.constant 0 : i32
        %dma_wait3A_529 = tpu.memref_slice %arg2[%sub3A_509, %dma_wait3A_528] : memref<1000x128xi32, #tpu.memory_space<hbm>> -> memref<1x128xi32, #tpu.memory_space<hbm>>
        tpu.wait_dma2 semaphore(%run_scoped3A : memref<!tpu.dma_semaphore, #tpu.memory_space<semaphore_mem>>) src(%dma_wait3A_529 : memref<1x128xi32, #tpu.memory_space<hbm>>) dst(%dma_wait3A_527 : memref<1x128xi32, #tpu.memory_space<vmem>>)
        tpu.yield
      }) : () -> ()
    } else {
    }
    %broadcast_in_dim3A = arith.constant 0.000000e+00 : f32
    %broadcast_in_dim3A_21 = vector.broadcast %broadcast_in_dim3A : f32 to vector<16xf32>
    %broadcast_in_dim3A_22 = arith.constant 1.000000e+00 : f32
    %broadcast_in_dim3A_23 = vector.broadcast %broadcast_in_dim3A_22 : f32 to vector<16xf32>
    %swap3A = arith.constant 0 : index
    %swap3A_24 = tpu.vector_load %arg7[%swap3A] {strides = array<i32>} : memref<512xf32, #tpu.memory_space<vmem>>, vector<16xf32>,
    tpu.vector_store %arg7[%swap3A], %broadcast_in_dim3A_21 {strides = array<i32>} : memref<512xf32, #tpu.memory_space<vmem>>, vector<16xf32>,
    %swap3A_25 = arith.constant 16 : index
    %swap3A_26 = tpu.vector_load %arg7[%swap3A_25] {strides = array<i32>} : memref<512xf32, #tpu.memory_space<vmem>>, vector<16xf32>,
    tpu.vector_store %arg7[%swap3A_25], %broadcast_in_dim3A_21 {strides = array<i32>} : memref<512xf32, #tpu.memory_space<vmem>>, vector<16xf32>,
    %swap3A_27 = arith.constant 32 : index
    %swap3A_28 = tpu.vector_load %arg7[%swap3A_27] {strides = array<i32>} : memref<512xf32, #tpu.memory_space<vmem>>, vector<16xf32>,
    tpu.vector_store %arg7[%swap3A_27], %broadcast_in_dim3A_21 {strides = array<i32>} : memref<512xf32, #tpu.memory_space<vmem>>, vector<16xf32>,
    %swap3A_29 = arith.constant 48 : index
    %swap3A_30 = tpu.vector_load %arg7[%swap3A_29] {strides = array<i32>} : memref<512xf32, #tpu.memory_space<vmem>>, vector<16xf32>,
    tpu.vector_store %arg7[%swap3A_29], %broadcast_in_dim3A_21 {strides = array<i32>} : memref<512xf32, #tpu.memory_space<vmem>>, vector<16xf32>,
    %swap3A_31 = arith.constant 64 : index
    %swap3A_32 = tpu.vector_load %arg7[%swap3A_31] {strides = array<i32>} : memref<512xf32, #tpu.memory_space<vmem>>, vector<16xf32>,
    tpu.vector_store %arg7[%swap3A_31], %broadcast_in_dim3A_21 {strides = array<i32>} : memref<512xf32, #tpu.memory_space<vmem>>, vector<16xf32>,
    %swap3A_33 = arith.constant 80 : index
    %swap3A_34 = tpu.vector_load %arg7[%swap3A_33] {strides = array<i32>} : memref<512xf32, #tpu.memory_space<vmem>>, vector<16xf32>,
    tpu.vector_store %arg7[%swap3A_33], %broadcast_in_dim3A_21 {strides = array<i32>} : memref<512xf32, #tpu.memory_space<vmem>>, vector<16xf32>,
    %swap3A_35 = arith.constant 96 : index
    %swap3A_36 = tpu.vector_load %arg7[%swap3A_35] {strides = array<i32>} : memref<512xf32, #tpu.memory_space<vmem>>, vector<16xf32>,
    tpu.vector_store %arg7[%swap3A_35], %broadcast_in_dim3A_21 {strides = array<i32>} : memref<512xf32, #tpu.memory_space<vmem>>, vector<16xf32>,
    %swap3A_37 = arith.constant 112 : index
    %swap3A_38 = tpu.vector_load %arg7[%swap3A_37] {strides = array<i32>} : memref<512xf32, #tpu.memory_space<vmem>>, vector<16xf32>,
    tpu.vector_store %arg7[%swap3A_37], %broadcast_in_dim3A_21 {strides = array<i32>} : memref<512xf32, #tpu.memory_space<vmem>>, vector<16xf32>,
    %swap3A_39 = arith.constant 128 : index
    %swap3A_40 = tpu.vector_load %arg7[%swap3A_39] {strides = array<i32>} : memref<512xf32, #tpu.memory_space<vmem>>, vector<16xf32>,
    tpu.vector_store %arg7[%swap3A_39], %broadcast_in_dim3A_21 {strides = array<i32>} : memref<512xf32, #tpu.memory_space<vmem>>, vector<16xf32>,
    %swap3A_41 = arith.constant 144 : index
    %swap3A_42 = tpu.vector_load %arg7[%swap3A_41] {strides = array<i32>} : memref<512xf32, #tpu.memory_space<vmem>>, vector<16xf32>,
    tpu.vector_store %arg7[%swap3A_41], %broadcast_in_dim3A_21 {strides = array<i32>} : memref<512xf32, #tpu.memory_space<vmem>>, vector<16xf32>,
    %swap3A_43 = arith.constant 160 : index
    %swap3A_44 = tpu.vector_load %arg7[%swap3A_43] {strides = array<i32>} : memref<512xf32, #tpu.memory_space<vmem>>, vector<16xf32>,
    tpu.vector_store %arg7[%swap3A_43], %broadcast_in_dim3A_21 {strides = array<i32>} : memref<512xf32, #tpu.memory_space<vmem>>, vector<16xf32>,
    %swap3A_45 = arith.constant 176 : index
    %swap3A_46 = tpu.vector_load %arg7[%swap3A_45] {strides = array<i32>} : memref<512xf32, #tpu.memory_space<vmem>>, vector<16xf32>,
    tpu.vector_store %arg7[%swap3A_45], %broadcast_in_dim3A_21 {strides = array<i32>} : memref<512xf32, #tpu.memory_space<vmem>>, vector<16xf32>,
    %swap3A_47 = arith.constant 192 : index
    %swap3A_48 = tpu.vector_load %arg7[%swap3A_47] {strides = array<i32>} : memref<512xf32, #tpu.memory_space<vmem>>, vector<16xf32>,
    tpu.vector_store %arg7[%swap3A_47], %broadcast_in_dim3A_21 {strides = array<i32>} : memref<512xf32, #tpu.memory_space<vmem>>, vector<16xf32>,
    %swap3A_49 = arith.constant 208 : index
    %swap3A_50 = tpu.vector_load %arg7[%swap3A_49] {strides = array<i32>} : memref<512xf32, #tpu.memory_space<vmem>>, vector<16xf32>,
    tpu.vector_store %arg7[%swap3A_49], %broadcast_in_dim3A_21 {strides = array<i32>} : memref<512xf32, #tpu.memory_space<vmem>>, vector<16xf32>,
    %swap3A_51 = arith.constant 224 : index
    %swap3A_52 = tpu.vector_load %arg7[%swap3A_51] {strides = array<i32>} : memref<512xf32, #tpu.memory_space<vmem>>, vector<16xf32>,
    tpu.vector_store %arg7[%swap3A_51], %broadcast_in_dim3A_21 {strides = array<i32>} : memref<512xf32, #tpu.memory_space<vmem>>, vector<16xf32>,
    %swap3A_53 = arith.constant 240 : index
    %swap3A_54 = tpu.vector_load %arg7[%swap3A_53] {strides = array<i32>} : memref<512xf32, #tpu.memory_space<vmem>>, vector<16xf32>,
    tpu.vector_store %arg7[%swap3A_53], %broadcast_in_dim3A_21 {strides = array<i32>} : memref<512xf32, #tpu.memory_space<vmem>>, vector<16xf32>,
    %swap3A_55 = arith.constant 256 : index
    %swap3A_56 = tpu.vector_load %arg7[%swap3A_55] {strides = array<i32>} : memref<512xf32, #tpu.memory_space<vmem>>, vector<16xf32>,
    tpu.vector_store %arg7[%swap3A_55], %broadcast_in_dim3A_21 {strides = array<i32>} : memref<512xf32, #tpu.memory_space<vmem>>, vector<16xf32>,
    %swap3A_57 = arith.constant 272 : index
    %swap3A_58 = tpu.vector_load %arg7[%swap3A_57] {strides = array<i32>} : memref<512xf32, #tpu.memory_space<vmem>>, vector<16xf32>,
    tpu.vector_store %arg7[%swap3A_57], %broadcast_in_dim3A_21 {strides = array<i32>} : memref<512xf32, #tpu.memory_space<vmem>>, vector<16xf32>,
    %swap3A_59 = arith.constant 288 : index
    %swap3A_60 = tpu.vector_load %arg7[%swap3A_59] {strides = array<i32>} : memref<512xf32, #tpu.memory_space<vmem>>, vector<16xf32>,
    tpu.vector_store %arg7[%swap3A_59], %broadcast_in_dim3A_21 {strides = array<i32>} : memref<512xf32, #tpu.memory_space<vmem>>, vector<16xf32>,
    %swap3A_61 = arith.constant 304 : index
    %swap3A_62 = tpu.vector_load %arg7[%swap3A_61] {strides = array<i32>} : memref<512xf32, #tpu.memory_space<vmem>>, vector<16xf32>,
    tpu.vector_store %arg7[%swap3A_61], %broadcast_in_dim3A_21 {strides = array<i32>} : memref<512xf32, #tpu.memory_space<vmem>>, vector<16xf32>,
    %swap3A_63 = arith.constant 320 : index
    %swap3A_64 = tpu.vector_load %arg7[%swap3A_63] {strides = array<i32>} : memref<512xf32, #tpu.memory_space<vmem>>, vector<16xf32>,
    tpu.vector_store %arg7[%swap3A_63], %broadcast_in_dim3A_21 {strides = array<i32>} : memref<512xf32, #tpu.memory_space<vmem>>, vector<16xf32>,
    %swap3A_65 = arith.constant 336 : index
    %swap3A_66 = tpu.vector_load %arg7[%swap3A_65] {strides = array<i32>} : memref<512xf32, #tpu.memory_space<vmem>>, vector<16xf32>,
    tpu.vector_store %arg7[%swap3A_65], %broadcast_in_dim3A_21 {strides = array<i32>} : memref<512xf32, #tpu.memory_space<vmem>>, vector<16xf32>,
    %swap3A_67 = arith.constant 352 : index
    %swap3A_68 = tpu.vector_load %arg7[%swap3A_67] {strides = array<i32>} : memref<512xf32, #tpu.memory_space<vmem>>, vector<16xf32>,
    tpu.vector_store %arg7[%swap3A_67], %broadcast_in_dim3A_21 {strides = array<i32>} : memref<512xf32, #tpu.memory_space<vmem>>, vector<16xf32>,
    %swap3A_69 = arith.constant 368 : index
    %swap3A_70 = tpu.vector_load %arg7[%swap3A_69] {strides = array<i32>} : memref<512xf32, #tpu.memory_space<vmem>>, vector<16xf32>,
    tpu.vector_store %arg7[%swap3A_69], %broadcast_in_dim3A_21 {strides = array<i32>} : memref<512xf32, #tpu.memory_space<vmem>>, vector<16xf32>,
    %swap3A_71 = arith.constant 384 : index
    %swap3A_72 = tpu.vector_load %arg7[%swap3A_71] {strides = array<i32>} : memref<512xf32, #tpu.memory_space<vmem>>, vector<16xf32>,
    tpu.vector_store %arg7[%swap3A_71], %broadcast_in_dim3A_21 {strides = array<i32>} : memref<512xf32, #tpu.memory_space<vmem>>, vector<16xf32>,
    %swap3A_73 = arith.constant 400 : index
    %swap3A_74 = tpu.vector_load %arg7[%swap3A_73] {strides = array<i32>} : memref<512xf32, #tpu.memory_space<vmem>>, vector<16xf32>,
    tpu.vector_store %arg7[%swap3A_73], %broadcast_in_dim3A_21 {strides = array<i32>} : memref<512xf32, #tpu.memory_space<vmem>>, vector<16xf32>,
    %swap3A_75 = arith.constant 416 : index
    %swap3A_76 = tpu.vector_load %arg7[%swap3A_75] {strides = array<i32>} : memref<512xf32, #tpu.memory_space<vmem>>, vector<16xf32>,
    tpu.vector_store %arg7[%swap3A_75], %broadcast_in_dim3A_21 {strides = array<i32>} : memref<512xf32, #tpu.memory_space<vmem>>, vector<16xf32>,
    %swap3A_77 = arith.constant 432 : index
    %swap3A_78 = tpu.vector_load %arg7[%swap3A_77] {strides = array<i32>} : memref<512xf32, #tpu.memory_space<vmem>>, vector<16xf32>,
    tpu.vector_store %arg7[%swap3A_77], %broadcast_in_dim3A_21 {strides = array<i32>} : memref<512xf32, #tpu.memory_space<vmem>>, vector<16xf32>,
    %swap3A_79 = arith.constant 448 : index
    %swap3A_80 = tpu.vector_load %arg7[%swap3A_79] {strides = array<i32>} : memref<512xf32, #tpu.memory_space<vmem>>, vector<16xf32>,
    tpu.vector_store %arg7[%swap3A_79], %broadcast_in_dim3A_21 {strides = array<i32>} : memref<512xf32, #tpu.memory_space<vmem>>, vector<16xf32>,
    %swap3A_81 = arith.constant 464 : index
    %swap3A_82 = tpu.vector_load %arg7[%swap3A_81] {strides = array<i32>} : memref<512xf32, #tpu.memory_space<vmem>>, vector<16xf32>,
    tpu.vector_store %arg7[%swap3A_81], %broadcast_in_dim3A_21 {strides = array<i32>} : memref<512xf32, #tpu.memory_space<vmem>>, vector<16xf32>,
    %swap3A_83 = arith.constant 480 : index
    %swap3A_84 = tpu.vector_load %arg7[%swap3A_83] {strides = array<i32>} : memref<512xf32, #tpu.memory_space<vmem>>, vector<16xf32>,
    tpu.vector_store %arg7[%swap3A_83], %broadcast_in_dim3A_21 {strides = array<i32>} : memref<512xf32, #tpu.memory_space<vmem>>, vector<16xf32>,
    %swap3A_85 = arith.constant 496 : index
    %swap3A_86 = tpu.vector_load %arg7[%swap3A_85] {strides = array<i32>} : memref<512xf32, #tpu.memory_space<vmem>>, vector<16xf32>,
    tpu.vector_store %arg7[%swap3A_85], %broadcast_in_dim3A_21 {strides = array<i32>} : memref<512xf32, #tpu.memory_space<vmem>>, vector<16xf32>,
    %swap3A_87 = arith.constant 0 : index
    %swap3A_88 = tpu.vector_load %arg6[%swap3A_87] {strides = array<i32>} : memref<128xf32, #tpu.memory_space<vmem>>, vector<16xf32>,
    tpu.vector_store %arg6[%swap3A_87], %broadcast_in_dim3A_23 {strides = array<i32>} : memref<128xf32, #tpu.memory_space<vmem>>, vector<16xf32>,
    %swap3A_89 = arith.constant 16 : index
    %swap3A_90 = tpu.vector_load %arg6[%swap3A_89] {strides = array<i32>} : memref<128xf32, #tpu.memory_space<vmem>>, vector<16xf32>,
    tpu.vector_store %arg6[%swap3A_89], %broadcast_in_dim3A_23 {strides = array<i32>} : memref<128xf32, #tpu.memory_space<vmem>>, vector<16xf32>,
    %swap3A_91 = arith.constant 32 : index
    %swap3A_92 = tpu.vector_load %arg6[%swap3A_91] {strides = array<i32>} : memref<128xf32, #tpu.memory_space<vmem>>, vector<16xf32>,
    tpu.vector_store %arg6[%swap3A_91], %broadcast_in_dim3A_23 {strides = array<i32>} : memref<128xf32, #tpu.memory_space<vmem>>, vector<16xf32>,
    %swap3A_93 = arith.constant 48 : index
    %swap3A_94 = tpu.vector_load %arg6[%swap3A_93] {strides = array<i32>} : memref<128xf32, #tpu.memory_space<vmem>>, vector<16xf32>,
    tpu.vector_store %arg6[%swap3A_93], %broadcast_in_dim3A_23 {strides = array<i32>} : memref<128xf32, #tpu.memory_space<vmem>>, vector<16xf32>,
    %swap3A_95 = arith.constant 64 : index
    %swap3A_96 = tpu.vector_load %arg6[%swap3A_95] {strides = array<i32>} : memref<128xf32, #tpu.memory_space<vmem>>, vector<16xf32>,
    tpu.vector_store %arg6[%swap3A_95], %broadcast_in_dim3A_23 {strides = array<i32>} : memref<128xf32, #tpu.memory_space<vmem>>, vector<16xf32>,
    %swap3A_97 = arith.constant 80 : index
    %swap3A_98 = tpu.vector_load %arg6[%swap3A_97] {strides = array<i32>} : memref<128xf32, #tpu.memory_space<vmem>>, vector<16xf32>,
    tpu.vector_store %arg6[%swap3A_97], %broadcast_in_dim3A_23 {strides = array<i32>} : memref<128xf32, #tpu.memory_space<vmem>>, vector<16xf32>,
    %swap3A_99 = arith.constant 96 : index
    %swap3A_100 = tpu.vector_load %arg6[%swap3A_99] {strides = array<i32>} : memref<128xf32, #tpu.memory_space<vmem>>, vector<16xf32>,
    tpu.vector_store %arg6[%swap3A_99], %broadcast_in_dim3A_23 {strides = array<i32>} : memref<128xf32, #tpu.memory_space<vmem>>, vector<16xf32>,
    %swap3A_101 = arith.constant 112 : index
    %swap3A_102 = tpu.vector_load %arg6[%swap3A_101] {strides = array<i32>} : memref<128xf32, #tpu.memory_space<vmem>>, vector<16xf32>,
    tpu.vector_store %arg6[%swap3A_101], %broadcast_in_dim3A_23 {strides = array<i32>} : memref<128xf32, #tpu.memory_space<vmem>>, vector<16xf32>,
    %mul3A_103 = arith.constant 512 : i32
    %mul3A_104 = arith.muli %arg1, %mul3A_103 : i32
    "tpu.region"() ({
      %run_scoped3A = tpu.sem_alloc : memref<!tpu.dma_semaphore, #tpu.memory_space<semaphore_mem>>
      %dma_start3A_506 = tpu.memref_slice %arg8[%mul3A_104] : memref<8192xf32, #tpu.memory_space<vmem_shared>> -> memref<512xf32, #tpu.memory_space<vmem_shared>>
      %dma_start3A_507 = tpu.memref_slice %arg8[%mul3A_104] : memref<8192xf32, #tpu.memory_space<vmem_shared>> -> memref<512xf32, #tpu.memory_space<vmem_shared>>
      tpu.enqueue_dma source(%arg7 : memref<512xf32, #tpu.memory_space<vmem>>) target(%dma_start3A_507 : memref<512xf32, #tpu.memory_space<vmem_shared>>) target_semaphore(%run_scoped3A : memref<!tpu.dma_semaphore, #tpu.memory_space<semaphore_mem>>)
      %dma_wait3A_508 = tpu.memref_slice %arg8[%mul3A_104] : memref<8192xf32, #tpu.memory_space<vmem_shared>> -> memref<512xf32, #tpu.memory_space<vmem_shared>>
      %dma_wait3A_509 = tpu.memref_slice %arg8[%mul3A_104] : memref<8192xf32, #tpu.memory_space<vmem_shared>> -> memref<512xf32, #tpu.memory_space<vmem_shared>>
      tpu.wait_dma2 semaphore(%run_scoped3A : memref<!tpu.dma_semaphore, #tpu.memory_space<semaphore_mem>>) src(%arg7 : memref<512xf32, #tpu.memory_space<vmem>>) dst(%dma_wait3A_509 : memref<512xf32, #tpu.memory_space<vmem_shared>>)
      tpu.yield
    }) : () -> ()
    %dma_wait3A = arith.constant 0 : i32
    %dma_wait3A_105 = arith.constant 0 : i32
    %dma_wait3A_106 = tpu.memref_slice %arg5[%dma_wait3A, %dma_wait3A_105] : memref<32x128xi32, #tpu.memory_space<vmem>> -> memref<31x128xi32, #tpu.memory_space<vmem>>
    %dma_wait3A_107 = arith.constant 0 : i32
    %dma_wait3A_108 = tpu.memref_slice %arg2[%select_n3A, %dma_wait3A_107] : memref<1000x128xi32, #tpu.memory_space<hbm>> -> memref<31x128xi32, #tpu.memory_space<hbm>>
    %dma_wait3A_109 = arith.constant 0 : i32
    %dma_wait3A_110 = arith.constant 0 : i32
    %dma_wait3A_111 = tpu.memref_slice %arg5[%dma_wait3A_109, %dma_wait3A_110] : memref<32x128xi32, #tpu.memory_space<vmem>> -> memref<31x128xi32, #tpu.memory_space<vmem>>
    %dma_wait3A_112 = arith.constant 0 : i32
    %dma_wait3A_113 = tpu.memref_slice %arg2[%select_n3A, %dma_wait3A_112] : memref<1000x128xi32, #tpu.memory_space<hbm>> -> memref<31x128xi32, #tpu.memory_space<hbm>>
    tpu.wait_dma2 semaphore(%arg9 : memref<!tpu.dma_semaphore, #tpu.memory_space<semaphore_mem>>) src(%dma_wait3A_113 : memref<31x128xi32, #tpu.memory_space<hbm>>) dst(%dma_wait3A_111 : memref<31x128xi32, #tpu.memory_space<vmem>>)
    %barrier3A = arith.constant 0 : index
    tpu.barrier barrier_id(%barrier3A)
    %dma_start3A_114 = arith.constant 0 : i32
    %dma_start3A_115 = arith.constant 0 : i32
    %dma_start3A_116 = tpu.memref_slice %arg5[%dma_start3A_114, %dma_start3A_115] : memref<32x128xi32, #tpu.memory_space<vmem>> -> memref<1x128xi32, #tpu.memory_space<vmem>>
    %dma_start3A_117 = tpu.memref_squeeze %dma_start3A_116 : memref<1x128xi32, #tpu.memory_space<vmem>> -> memref<128xi32, #tpu.memory_space<vmem>>
    %dma_start3A_118 = arith.constant 0 : i32
    %dma_start3A_119 = tpu.memref_slice %arg8[%dma_start3A_118] : memref<8192xf32, #tpu.memory_space<vmem_shared>> -> memref<8192xf32, #tpu.memory_space<vmem_shared>>
    tpu.enqueue_indirect_dma source(%arg6 : memref<128xf32, #tpu.memory_space<vmem>>) target(%dma_start3A_119 : memref<8192xf32, #tpu.memory_space<vmem_shared>>) offsets(%dma_start3A_117 : memref<128xi32, #tpu.memory_space<vmem>>) semaphore(%arg10 : memref<!tpu.dma_semaphore, #tpu.memory_space<semaphore_mem>>) {add = true}
    %dma_start3A_120 = arith.constant 1 : i32
    %dma_start3A_121 = arith.constant 0 : i32
    %dma_start3A_122 = tpu.memref_slice %arg5[%dma_start3A_120, %dma_start3A_121] : memref<32x128xi32, #tpu.memory_space<vmem>> -> memref<1x128xi32, #tpu.memory_space<vmem>>
    %dma_start3A_123 = tpu.memref_squeeze %dma_start3A_122 : memref<1x128xi32, #tpu.memory_space<vmem>> -> memref<128xi32, #tpu.memory_space<vmem>>
    %dma_start3A_124 = arith.constant 0 : i32
    %dma_start3A_125 = tpu.memref_slice %arg8[%dma_start3A_124] : memref<8192xf32, #tpu.memory_space<vmem_shared>> -> memref<8192xf32, #tpu.memory_space<vmem_shared>>
    tpu.enqueue_indirect_dma source(%arg6 : memref<128xf32, #tpu.memory_space<vmem>>) target(%dma_start3A_125 : memref<8192xf32, #tpu.memory_space<vmem_shared>>) offsets(%dma_start3A_123 : memref<128xi32, #tpu.memory_space<vmem>>) semaphore(%arg10 : memref<!tpu.dma_semaphore, #tpu.memory_space<semaphore_mem>>) {add = true}
    %dma_start3A_126 = arith.constant 2 : i32
    %dma_start3A_127 = arith.constant 0 : i32
    %dma_start3A_128 = tpu.memref_slice %arg5[%dma_start3A_126, %dma_start3A_127] : memref<32x128xi32, #tpu.memory_space<vmem>> -> memref<1x128xi32, #tpu.memory_space<vmem>>
    %dma_start3A_129 = tpu.memref_squeeze %dma_start3A_128 : memref<1x128xi32, #tpu.memory_space<vmem>> -> memref<128xi32, #tpu.memory_space<vmem>>
    %dma_start3A_130 = arith.constant 0 : i32
    %dma_start3A_131 = tpu.memref_slice %arg8[%dma_start3A_130] : memref<8192xf32, #tpu.memory_space<vmem_shared>> -> memref<8192xf32, #tpu.memory_space<vmem_shared>>
    tpu.enqueue_indirect_dma source(%arg6 : memref<128xf32, #tpu.memory_space<vmem>>) target(%dma_start3A_131 : memref<8192xf32, #tpu.memory_space<vmem_shared>>) offsets(%dma_start3A_129 : memref<128xi32, #tpu.memory_space<vmem>>) semaphore(%arg10 : memref<!tpu.dma_semaphore, #tpu.memory_space<semaphore_mem>>) {add = true}
    %dma_start3A_132 = arith.constant 3 : i32
    %dma_start3A_133 = arith.constant 0 : i32
    %dma_start3A_134 = tpu.memref_slice %arg5[%dma_start3A_132, %dma_start3A_133] : memref<32x128xi32, #tpu.memory_space<vmem>> -> memref<1x128xi32, #tpu.memory_space<vmem>>
    %dma_start3A_135 = tpu.memref_squeeze %dma_start3A_134 : memref<1x128xi32, #tpu.memory_space<vmem>> -> memref<128xi32, #tpu.memory_space<vmem>>
    %dma_start3A_136 = arith.constant 0 : i32
    %dma_start3A_137 = tpu.memref_slice %arg8[%dma_start3A_136] : memref<8192xf32, #tpu.memory_space<vmem_shared>> -> memref<8192xf32, #tpu.memory_space<vmem_shared>>
    tpu.enqueue_indirect_dma source(%arg6 : memref<128xf32, #tpu.memory_space<vmem>>) target(%dma_start3A_137 : memref<8192xf32, #tpu.memory_space<vmem_shared>>) offsets(%dma_start3A_135 : memref<128xi32, #tpu.memory_space<vmem>>) semaphore(%arg10 : memref<!tpu.dma_semaphore, #tpu.memory_space<semaphore_mem>>) {add = true}
    %dma_start3A_138 = arith.constant 4 : i32
    %dma_start3A_139 = arith.constant 0 : i32
    %dma_start3A_140 = tpu.memref_slice %arg5[%dma_start3A_138, %dma_start3A_139] : memref<32x128xi32, #tpu.memory_space<vmem>> -> memref<1x128xi32, #tpu.memory_space<vmem>>
    %dma_start3A_141 = tpu.memref_squeeze %dma_start3A_140 : memref<1x128xi32, #tpu.memory_space<vmem>> -> memref<128xi32, #tpu.memory_space<vmem>>
    %dma_start3A_142 = arith.constant 0 : i32
    %dma_start3A_143 = tpu.memref_slice %arg8[%dma_start3A_142] : memref<8192xf32, #tpu.memory_space<vmem_shared>> -> memref<8192xf32, #tpu.memory_space<vmem_shared>>
    tpu.enqueue_indirect_dma source(%arg6 : memref<128xf32, #tpu.memory_space<vmem>>) target(%dma_start3A_143 : memref<8192xf32, #tpu.memory_space<vmem_shared>>) offsets(%dma_start3A_141 : memref<128xi32, #tpu.memory_space<vmem>>) semaphore(%arg10 : memref<!tpu.dma_semaphore, #tpu.memory_space<semaphore_mem>>) {add = true}
    %dma_start3A_144 = arith.constant 5 : i32
    %dma_start3A_145 = arith.constant 0 : i32
    %dma_start3A_146 = tpu.memref_slice %arg5[%dma_start3A_144, %dma_start3A_145] : memref<32x128xi32, #tpu.memory_space<vmem>> -> memref<1x128xi32, #tpu.memory_space<vmem>>
    %dma_start3A_147 = tpu.memref_squeeze %dma_start3A_146 : memref<1x128xi32, #tpu.memory_space<vmem>> -> memref<128xi32, #tpu.memory_space<vmem>>
    %dma_start3A_148 = arith.constant 0 : i32
    %dma_start3A_149 = tpu.memref_slice %arg8[%dma_start3A_148] : memref<8192xf32, #tpu.memory_space<vmem_shared>> -> memref<8192xf32, #tpu.memory_space<vmem_shared>>
    tpu.enqueue_indirect_dma source(%arg6 : memref<128xf32, #tpu.memory_space<vmem>>) target(%dma_start3A_149 : memref<8192xf32, #tpu.memory_space<vmem_shared>>) offsets(%dma_start3A_147 : memref<128xi32, #tpu.memory_space<vmem>>) semaphore(%arg10 : memref<!tpu.dma_semaphore, #tpu.memory_space<semaphore_mem>>) {add = true}
    %dma_start3A_150 = arith.constant 6 : i32
    %dma_start3A_151 = arith.constant 0 : i32
    %dma_start3A_152 = tpu.memref_slice %arg5[%dma_start3A_150, %dma_start3A_151] : memref<32x128xi32, #tpu.memory_space<vmem>> -> memref<1x128xi32, #tpu.memory_space<vmem>>
    %dma_start3A_153 = tpu.memref_squeeze %dma_start3A_152 : memref<1x128xi32, #tpu.memory_space<vmem>> -> memref<128xi32, #tpu.memory_space<vmem>>
    %dma_start3A_154 = arith.constant 0 : i32
    %dma_start3A_155 = tpu.memref_slice %arg8[%dma_start3A_154] : memref<8192xf32, #tpu.memory_space<vmem_shared>> -> memref<8192xf32, #tpu.memory_space<vmem_shared>>
    tpu.enqueue_indirect_dma source(%arg6 : memref<128xf32, #tpu.memory_space<vmem>>) target(%dma_start3A_155 : memref<8192xf32, #tpu.memory_space<vmem_shared>>) offsets(%dma_start3A_153 : memref<128xi32, #tpu.memory_space<vmem>>) semaphore(%arg10 : memref<!tpu.dma_semaphore, #tpu.memory_space<semaphore_mem>>) {add = true}
    %dma_start3A_156 = arith.constant 7 : i32
    %dma_start3A_157 = arith.constant 0 : i32
    %dma_start3A_158 = tpu.memref_slice %arg5[%dma_start3A_156, %dma_start3A_157] : memref<32x128xi32, #tpu.memory_space<vmem>> -> memref<1x128xi32, #tpu.memory_space<vmem>>
    %dma_start3A_159 = tpu.memref_squeeze %dma_start3A_158 : memref<1x128xi32, #tpu.memory_space<vmem>> -> memref<128xi32, #tpu.memory_space<vmem>>
    %dma_start3A_160 = arith.constant 0 : i32
    %dma_start3A_161 = tpu.memref_slice %arg8[%dma_start3A_160] : memref<8192xf32, #tpu.memory_space<vmem_shared>> -> memref<8192xf32, #tpu.memory_space<vmem_shared>>
    tpu.enqueue_indirect_dma source(%arg6 : memref<128xf32, #tpu.memory_space<vmem>>) target(%dma_start3A_161 : memref<8192xf32, #tpu.memory_space<vmem_shared>>) offsets(%dma_start3A_159 : memref<128xi32, #tpu.memory_space<vmem>>) semaphore(%arg10 : memref<!tpu.dma_semaphore, #tpu.memory_space<semaphore_mem>>) {add = true}
    %dma_start3A_162 = arith.constant 8 : i32
    %dma_start3A_163 = arith.constant 0 : i32
    %dma_start3A_164 = tpu.memref_slice %arg5[%dma_start3A_162, %dma_start3A_163] : memref<32x128xi32, #tpu.memory_space<vmem>> -> memref<1x128xi32, #tpu.memory_space<vmem>>
    %dma_start3A_165 = tpu.memref_squeeze %dma_start3A_164 : memref<1x128xi32, #tpu.memory_space<vmem>> -> memref<128xi32, #tpu.memory_space<vmem>>
    %dma_start3A_166 = arith.constant 0 : i32
    %dma_start3A_167 = tpu.memref_slice %arg8[%dma_start3A_166] : memref<8192xf32, #tpu.memory_space<vmem_shared>> -> memref<8192xf32, #tpu.memory_space<vmem_shared>>
    tpu.enqueue_indirect_dma source(%arg6 : memref<128xf32, #tpu.memory_space<vmem>>) target(%dma_start3A_167 : memref<8192xf32, #tpu.memory_space<vmem_shared>>) offsets(%dma_start3A_165 : memref<128xi32, #tpu.memory_space<vmem>>) semaphore(%arg10 : memref<!tpu.dma_semaphore, #tpu.memory_space<semaphore_mem>>) {add = true}
    %dma_start3A_168 = arith.constant 9 : i32
    %dma_start3A_169 = arith.constant 0 : i32
    %dma_start3A_170 = tpu.memref_slice %arg5[%dma_start3A_168, %dma_start3A_169] : memref<32x128xi32, #tpu.memory_space<vmem>> -> memref<1x128xi32, #tpu.memory_space<vmem>>
    %dma_start3A_171 = tpu.memref_squeeze %dma_start3A_170 : memref<1x128xi32, #tpu.memory_space<vmem>> -> memref<128xi32, #tpu.memory_space<vmem>>
    %dma_start3A_172 = arith.constant 0 : i32
    %dma_start3A_173 = tpu.memref_slice %arg8[%dma_start3A_172] : memref<8192xf32, #tpu.memory_space<vmem_shared>> -> memref<8192xf32, #tpu.memory_space<vmem_shared>>
    tpu.enqueue_indirect_dma source(%arg6 : memref<128xf32, #tpu.memory_space<vmem>>) target(%dma_start3A_173 : memref<8192xf32, #tpu.memory_space<vmem_shared>>) offsets(%dma_start3A_171 : memref<128xi32, #tpu.memory_space<vmem>>) semaphore(%arg10 : memref<!tpu.dma_semaphore, #tpu.memory_space<semaphore_mem>>) {add = true}
    %dma_start3A_174 = arith.constant 10 : i32
    %dma_start3A_175 = arith.constant 0 : i32
    %dma_start3A_176 = tpu.memref_slice %arg5[%dma_start3A_174, %dma_start3A_175] : memref<32x128xi32, #tpu.memory_space<vmem>> -> memref<1x128xi32, #tpu.memory_space<vmem>>
    %dma_start3A_177 = tpu.memref_squeeze %dma_start3A_176 : memref<1x128xi32, #tpu.memory_space<vmem>> -> memref<128xi32, #tpu.memory_space<vmem>>
    %dma_start3A_178 = arith.constant 0 : i32
    %dma_start3A_179 = tpu.memref_slice %arg8[%dma_start3A_178] : memref<8192xf32, #tpu.memory_space<vmem_shared>> -> memref<8192xf32, #tpu.memory_space<vmem_shared>>
    tpu.enqueue_indirect_dma source(%arg6 : memref<128xf32, #tpu.memory_space<vmem>>) target(%dma_start3A_179 : memref<8192xf32, #tpu.memory_space<vmem_shared>>) offsets(%dma_start3A_177 : memref<128xi32, #tpu.memory_space<vmem>>) semaphore(%arg10 : memref<!tpu.dma_semaphore, #tpu.memory_space<semaphore_mem>>) {add = true}
    %dma_start3A_180 = arith.constant 11 : i32
    %dma_start3A_181 = arith.constant 0 : i32
    %dma_start3A_182 = tpu.memref_slice %arg5[%dma_start3A_180, %dma_start3A_181] : memref<32x128xi32, #tpu.memory_space<vmem>> -> memref<1x128xi32, #tpu.memory_space<vmem>>
    %dma_start3A_183 = tpu.memref_squeeze %dma_start3A_182 : memref<1x128xi32, #tpu.memory_space<vmem>> -> memref<128xi32, #tpu.memory_space<vmem>>
    %dma_start3A_184 = arith.constant 0 : i32
    %dma_start3A_185 = tpu.memref_slice %arg8[%dma_start3A_184] : memref<8192xf32, #tpu.memory_space<vmem_shared>> -> memref<8192xf32, #tpu.memory_space<vmem_shared>>
    tpu.enqueue_indirect_dma source(%arg6 : memref<128xf32, #tpu.memory_space<vmem>>) target(%dma_start3A_185 : memref<8192xf32, #tpu.memory_space<vmem_shared>>) offsets(%dma_start3A_183 : memref<128xi32, #tpu.memory_space<vmem>>) semaphore(%arg10 : memref<!tpu.dma_semaphore, #tpu.memory_space<semaphore_mem>>) {add = true}
    %dma_start3A_186 = arith.constant 12 : i32
    %dma_start3A_187 = arith.constant 0 : i32
    %dma_start3A_188 = tpu.memref_slice %arg5[%dma_start3A_186, %dma_start3A_187] : memref<32x128xi32, #tpu.memory_space<vmem>> -> memref<1x128xi32, #tpu.memory_space<vmem>>
    %dma_start3A_189 = tpu.memref_squeeze %dma_start3A_188 : memref<1x128xi32, #tpu.memory_space<vmem>> -> memref<128xi32, #tpu.memory_space<vmem>>
    %dma_start3A_190 = arith.constant 0 : i32
    %dma_start3A_191 = tpu.memref_slice %arg8[%dma_start3A_190] : memref<8192xf32, #tpu.memory_space<vmem_shared>> -> memref<8192xf32, #tpu.memory_space<vmem_shared>>
    tpu.enqueue_indirect_dma source(%arg6 : memref<128xf32, #tpu.memory_space<vmem>>) target(%dma_start3A_191 : memref<8192xf32, #tpu.memory_space<vmem_shared>>) offsets(%dma_start3A_189 : memref<128xi32, #tpu.memory_space<vmem>>) semaphore(%arg10 : memref<!tpu.dma_semaphore, #tpu.memory_space<semaphore_mem>>) {add = true}
    %dma_start3A_192 = arith.constant 13 : i32
    %dma_start3A_193 = arith.constant 0 : i32
    %dma_start3A_194 = tpu.memref_slice %arg5[%dma_start3A_192, %dma_start3A_193] : memref<32x128xi32, #tpu.memory_space<vmem>> -> memref<1x128xi32, #tpu.memory_space<vmem>>
    %dma_start3A_195 = tpu.memref_squeeze %dma_start3A_194 : memref<1x128xi32, #tpu.memory_space<vmem>> -> memref<128xi32, #tpu.memory_space<vmem>>
    %dma_start3A_196 = arith.constant 0 : i32
    %dma_start3A_197 = tpu.memref_slice %arg8[%dma_start3A_196] : memref<8192xf32, #tpu.memory_space<vmem_shared>> -> memref<8192xf32, #tpu.memory_space<vmem_shared>>
    tpu.enqueue_indirect_dma source(%arg6 : memref<128xf32, #tpu.memory_space<vmem>>) target(%dma_start3A_197 : memref<8192xf32, #tpu.memory_space<vmem_shared>>) offsets(%dma_start3A_195 : memref<128xi32, #tpu.memory_space<vmem>>) semaphore(%arg10 : memref<!tpu.dma_semaphore, #tpu.memory_space<semaphore_mem>>) {add = true}
    %dma_start3A_198 = arith.constant 14 : i32
    %dma_start3A_199 = arith.constant 0 : i32
    %dma_start3A_200 = tpu.memref_slice %arg5[%dma_start3A_198, %dma_start3A_199] : memref<32x128xi32, #tpu.memory_space<vmem>> -> memref<1x128xi32, #tpu.memory_space<vmem>>
    %dma_start3A_201 = tpu.memref_squeeze %dma_start3A_200 : memref<1x128xi32, #tpu.memory_space<vmem>> -> memref<128xi32, #tpu.memory_space<vmem>>
    %dma_start3A_202 = arith.constant 0 : i32
    %dma_start3A_203 = tpu.memref_slice %arg8[%dma_start3A_202] : memref<8192xf32, #tpu.memory_space<vmem_shared>> -> memref<8192xf32, #tpu.memory_space<vmem_shared>>
    tpu.enqueue_indirect_dma source(%arg6 : memref<128xf32, #tpu.memory_space<vmem>>) target(%dma_start3A_203 : memref<8192xf32, #tpu.memory_space<vmem_shared>>) offsets(%dma_start3A_201 : memref<128xi32, #tpu.memory_space<vmem>>) semaphore(%arg10 : memref<!tpu.dma_semaphore, #tpu.memory_space<semaphore_mem>>) {add = true}
    %dma_start3A_204 = arith.constant 15 : i32
    %dma_start3A_205 = arith.constant 0 : i32
    %dma_start3A_206 = tpu.memref_slice %arg5[%dma_start3A_204, %dma_start3A_205] : memref<32x128xi32, #tpu.memory_space<vmem>> -> memref<1x128xi32, #tpu.memory_space<vmem>>
    %dma_start3A_207 = tpu.memref_squeeze %dma_start3A_206 : memref<1x128xi32, #tpu.memory_space<vmem>> -> memref<128xi32, #tpu.memory_space<vmem>>
    %dma_start3A_208 = arith.constant 0 : i32
    %dma_start3A_209 = tpu.memref_slice %arg8[%dma_start3A_208] : memref<8192xf32, #tpu.memory_space<vmem_shared>> -> memref<8192xf32, #tpu.memory_space<vmem_shared>>
    tpu.enqueue_indirect_dma source(%arg6 : memref<128xf32, #tpu.memory_space<vmem>>) target(%dma_start3A_209 : memref<8192xf32, #tpu.memory_space<vmem_shared>>) offsets(%dma_start3A_207 : memref<128xi32, #tpu.memory_space<vmem>>) semaphore(%arg10 : memref<!tpu.dma_semaphore, #tpu.memory_space<semaphore_mem>>) {add = true}
    %dma_start3A_210 = arith.constant 16 : i32
    %dma_start3A_211 = arith.constant 0 : i32
    %dma_start3A_212 = tpu.memref_slice %arg5[%dma_start3A_210, %dma_start3A_211] : memref<32x128xi32, #tpu.memory_space<vmem>> -> memref<1x128xi32, #tpu.memory_space<vmem>>
    %dma_start3A_213 = tpu.memref_squeeze %dma_start3A_212 : memref<1x128xi32, #tpu.memory_space<vmem>> -> memref<128xi32, #tpu.memory_space<vmem>>
    %dma_start3A_214 = arith.constant 0 : i32
    %dma_start3A_215 = tpu.memref_slice %arg8[%dma_start3A_214] : memref<8192xf32, #tpu.memory_space<vmem_shared>> -> memref<8192xf32, #tpu.memory_space<vmem_shared>>
    tpu.enqueue_indirect_dma source(%arg6 : memref<128xf32, #tpu.memory_space<vmem>>) target(%dma_start3A_215 : memref<8192xf32, #tpu.memory_space<vmem_shared>>) offsets(%dma_start3A_213 : memref<128xi32, #tpu.memory_space<vmem>>) semaphore(%arg10 : memref<!tpu.dma_semaphore, #tpu.memory_space<semaphore_mem>>) {add = true}
    %dma_start3A_216 = arith.constant 17 : i32
    %dma_start3A_217 = arith.constant 0 : i32
    %dma_start3A_218 = tpu.memref_slice %arg5[%dma_start3A_216, %dma_start3A_217] : memref<32x128xi32, #tpu.memory_space<vmem>> -> memref<1x128xi32, #tpu.memory_space<vmem>>
    %dma_start3A_219 = tpu.memref_squeeze %dma_start3A_218 : memref<1x128xi32, #tpu.memory_space<vmem>> -> memref<128xi32, #tpu.memory_space<vmem>>
    %dma_start3A_220 = arith.constant 0 : i32
    %dma_start3A_221 = tpu.memref_slice %arg8[%dma_start3A_220] : memref<8192xf32, #tpu.memory_space<vmem_shared>> -> memref<8192xf32, #tpu.memory_space<vmem_shared>>
    tpu.enqueue_indirect_dma source(%arg6 : memref<128xf32, #tpu.memory_space<vmem>>) target(%dma_start3A_221 : memref<8192xf32, #tpu.memory_space<vmem_shared>>) offsets(%dma_start3A_219 : memref<128xi32, #tpu.memory_space<vmem>>) semaphore(%arg10 : memref<!tpu.dma_semaphore, #tpu.memory_space<semaphore_mem>>) {add = true}
    %dma_start3A_222 = arith.constant 18 : i32
    %dma_start3A_223 = arith.constant 0 : i32
    %dma_start3A_224 = tpu.memref_slice %arg5[%dma_start3A_222, %dma_start3A_223] : memref<32x128xi32, #tpu.memory_space<vmem>> -> memref<1x128xi32, #tpu.memory_space<vmem>>
    %dma_start3A_225 = tpu.memref_squeeze %dma_start3A_224 : memref<1x128xi32, #tpu.memory_space<vmem>> -> memref<128xi32, #tpu.memory_space<vmem>>
    %dma_start3A_226 = arith.constant 0 : i32
    %dma_start3A_227 = tpu.memref_slice %arg8[%dma_start3A_226] : memref<8192xf32, #tpu.memory_space<vmem_shared>> -> memref<8192xf32, #tpu.memory_space<vmem_shared>>
    tpu.enqueue_indirect_dma source(%arg6 : memref<128xf32, #tpu.memory_space<vmem>>) target(%dma_start3A_227 : memref<8192xf32, #tpu.memory_space<vmem_shared>>) offsets(%dma_start3A_225 : memref<128xi32, #tpu.memory_space<vmem>>) semaphore(%arg10 : memref<!tpu.dma_semaphore, #tpu.memory_space<semaphore_mem>>) {add = true}
    %dma_start3A_228 = arith.constant 19 : i32
    %dma_start3A_229 = arith.constant 0 : i32
    %dma_start3A_230 = tpu.memref_slice %arg5[%dma_start3A_228, %dma_start3A_229] : memref<32x128xi32, #tpu.memory_space<vmem>> -> memref<1x128xi32, #tpu.memory_space<vmem>>
    %dma_start3A_231 = tpu.memref_squeeze %dma_start3A_230 : memref<1x128xi32, #tpu.memory_space<vmem>> -> memref<128xi32, #tpu.memory_space<vmem>>
    %dma_start3A_232 = arith.constant 0 : i32
    %dma_start3A_233 = tpu.memref_slice %arg8[%dma_start3A_232] : memref<8192xf32, #tpu.memory_space<vmem_shared>> -> memref<8192xf32, #tpu.memory_space<vmem_shared>>
    tpu.enqueue_indirect_dma source(%arg6 : memref<128xf32, #tpu.memory_space<vmem>>) target(%dma_start3A_233 : memref<8192xf32, #tpu.memory_space<vmem_shared>>) offsets(%dma_start3A_231 : memref<128xi32, #tpu.memory_space<vmem>>) semaphore(%arg10 : memref<!tpu.dma_semaphore, #tpu.memory_space<semaphore_mem>>) {add = true}
    %dma_start3A_234 = arith.constant 20 : i32
    %dma_start3A_235 = arith.constant 0 : i32
    %dma_start3A_236 = tpu.memref_slice %arg5[%dma_start3A_234, %dma_start3A_235] : memref<32x128xi32, #tpu.memory_space<vmem>> -> memref<1x128xi32, #tpu.memory_space<vmem>>
    %dma_start3A_237 = tpu.memref_squeeze %dma_start3A_236 : memref<1x128xi32, #tpu.memory_space<vmem>> -> memref<128xi32, #tpu.memory_space<vmem>>
    %dma_start3A_238 = arith.constant 0 : i32
    %dma_start3A_239 = tpu.memref_slice %arg8[%dma_start3A_238] : memref<8192xf32, #tpu.memory_space<vmem_shared>> -> memref<8192xf32, #tpu.memory_space<vmem_shared>>
    tpu.enqueue_indirect_dma source(%arg6 : memref<128xf32, #tpu.memory_space<vmem>>) target(%dma_start3A_239 : memref<8192xf32, #tpu.memory_space<vmem_shared>>) offsets(%dma_start3A_237 : memref<128xi32, #tpu.memory_space<vmem>>) semaphore(%arg10 : memref<!tpu.dma_semaphore, #tpu.memory_space<semaphore_mem>>) {add = true}
    %dma_start3A_240 = arith.constant 21 : i32
    %dma_start3A_241 = arith.constant 0 : i32
    %dma_start3A_242 = tpu.memref_slice %arg5[%dma_start3A_240, %dma_start3A_241] : memref<32x128xi32, #tpu.memory_space<vmem>> -> memref<1x128xi32, #tpu.memory_space<vmem>>
    %dma_start3A_243 = tpu.memref_squeeze %dma_start3A_242 : memref<1x128xi32, #tpu.memory_space<vmem>> -> memref<128xi32, #tpu.memory_space<vmem>>
    %dma_start3A_244 = arith.constant 0 : i32
    %dma_start3A_245 = tpu.memref_slice %arg8[%dma_start3A_244] : memref<8192xf32, #tpu.memory_space<vmem_shared>> -> memref<8192xf32, #tpu.memory_space<vmem_shared>>
    tpu.enqueue_indirect_dma source(%arg6 : memref<128xf32, #tpu.memory_space<vmem>>) target(%dma_start3A_245 : memref<8192xf32, #tpu.memory_space<vmem_shared>>) offsets(%dma_start3A_243 : memref<128xi32, #tpu.memory_space<vmem>>) semaphore(%arg10 : memref<!tpu.dma_semaphore, #tpu.memory_space<semaphore_mem>>) {add = true}
    %dma_start3A_246 = arith.constant 22 : i32
    %dma_start3A_247 = arith.constant 0 : i32
    %dma_start3A_248 = tpu.memref_slice %arg5[%dma_start3A_246, %dma_start3A_247] : memref<32x128xi32, #tpu.memory_space<vmem>> -> memref<1x128xi32, #tpu.memory_space<vmem>>
    %dma_start3A_249 = tpu.memref_squeeze %dma_start3A_248 : memref<1x128xi32, #tpu.memory_space<vmem>> -> memref<128xi32, #tpu.memory_space<vmem>>
    %dma_start3A_250 = arith.constant 0 : i32
    %dma_start3A_251 = tpu.memref_slice %arg8[%dma_start3A_250] : memref<8192xf32, #tpu.memory_space<vmem_shared>> -> memref<8192xf32, #tpu.memory_space<vmem_shared>>
    tpu.enqueue_indirect_dma source(%arg6 : memref<128xf32, #tpu.memory_space<vmem>>) target(%dma_start3A_251 : memref<8192xf32, #tpu.memory_space<vmem_shared>>) offsets(%dma_start3A_249 : memref<128xi32, #tpu.memory_space<vmem>>) semaphore(%arg10 : memref<!tpu.dma_semaphore, #tpu.memory_space<semaphore_mem>>) {add = true}
    %dma_start3A_252 = arith.constant 23 : i32
    %dma_start3A_253 = arith.constant 0 : i32
    %dma_start3A_254 = tpu.memref_slice %arg5[%dma_start3A_252, %dma_start3A_253] : memref<32x128xi32, #tpu.memory_space<vmem>> -> memref<1x128xi32, #tpu.memory_space<vmem>>
    %dma_start3A_255 = tpu.memref_squeeze %dma_start3A_254 : memref<1x128xi32, #tpu.memory_space<vmem>> -> memref<128xi32, #tpu.memory_space<vmem>>
    %dma_start3A_256 = arith.constant 0 : i32
    %dma_start3A_257 = tpu.memref_slice %arg8[%dma_start3A_256] : memref<8192xf32, #tpu.memory_space<vmem_shared>> -> memref<8192xf32, #tpu.memory_space<vmem_shared>>
    tpu.enqueue_indirect_dma source(%arg6 : memref<128xf32, #tpu.memory_space<vmem>>) target(%dma_start3A_257 : memref<8192xf32, #tpu.memory_space<vmem_shared>>) offsets(%dma_start3A_255 : memref<128xi32, #tpu.memory_space<vmem>>) semaphore(%arg10 : memref<!tpu.dma_semaphore, #tpu.memory_space<semaphore_mem>>) {add = true}
    %dma_start3A_258 = arith.constant 24 : i32
    %dma_start3A_259 = arith.constant 0 : i32
    %dma_start3A_260 = tpu.memref_slice %arg5[%dma_start3A_258, %dma_start3A_259] : memref<32x128xi32, #tpu.memory_space<vmem>> -> memref<1x128xi32, #tpu.memory_space<vmem>>
    %dma_start3A_261 = tpu.memref_squeeze %dma_start3A_260 : memref<1x128xi32, #tpu.memory_space<vmem>> -> memref<128xi32, #tpu.memory_space<vmem>>
    %dma_start3A_262 = arith.constant 0 : i32
    %dma_start3A_263 = tpu.memref_slice %arg8[%dma_start3A_262] : memref<8192xf32, #tpu.memory_space<vmem_shared>> -> memref<8192xf32, #tpu.memory_space<vmem_shared>>
    tpu.enqueue_indirect_dma source(%arg6 : memref<128xf32, #tpu.memory_space<vmem>>) target(%dma_start3A_263 : memref<8192xf32, #tpu.memory_space<vmem_shared>>) offsets(%dma_start3A_261 : memref<128xi32, #tpu.memory_space<vmem>>) semaphore(%arg10 : memref<!tpu.dma_semaphore, #tpu.memory_space<semaphore_mem>>) {add = true}
    %dma_start3A_264 = arith.constant 25 : i32
    %dma_start3A_265 = arith.constant 0 : i32
    %dma_start3A_266 = tpu.memref_slice %arg5[%dma_start3A_264, %dma_start3A_265] : memref<32x128xi32, #tpu.memory_space<vmem>> -> memref<1x128xi32, #tpu.memory_space<vmem>>
    %dma_start3A_267 = tpu.memref_squeeze %dma_start3A_266 : memref<1x128xi32, #tpu.memory_space<vmem>> -> memref<128xi32, #tpu.memory_space<vmem>>
    %dma_start3A_268 = arith.constant 0 : i32
    %dma_start3A_269 = tpu.memref_slice %arg8[%dma_start3A_268] : memref<8192xf32, #tpu.memory_space<vmem_shared>> -> memref<8192xf32, #tpu.memory_space<vmem_shared>>
    tpu.enqueue_indirect_dma source(%arg6 : memref<128xf32, #tpu.memory_space<vmem>>) target(%dma_start3A_269 : memref<8192xf32, #tpu.memory_space<vmem_shared>>) offsets(%dma_start3A_267 : memref<128xi32, #tpu.memory_space<vmem>>) semaphore(%arg10 : memref<!tpu.dma_semaphore, #tpu.memory_space<semaphore_mem>>) {add = true}
    %dma_start3A_270 = arith.constant 26 : i32
    %dma_start3A_271 = arith.constant 0 : i32
    %dma_start3A_272 = tpu.memref_slice %arg5[%dma_start3A_270, %dma_start3A_271] : memref<32x128xi32, #tpu.memory_space<vmem>> -> memref<1x128xi32, #tpu.memory_space<vmem>>
    %dma_start3A_273 = tpu.memref_squeeze %dma_start3A_272 : memref<1x128xi32, #tpu.memory_space<vmem>> -> memref<128xi32, #tpu.memory_space<vmem>>
    %dma_start3A_274 = arith.constant 0 : i32
    %dma_start3A_275 = tpu.memref_slice %arg8[%dma_start3A_274] : memref<8192xf32, #tpu.memory_space<vmem_shared>> -> memref<8192xf32, #tpu.memory_space<vmem_shared>>
    tpu.enqueue_indirect_dma source(%arg6 : memref<128xf32, #tpu.memory_space<vmem>>) target(%dma_start3A_275 : memref<8192xf32, #tpu.memory_space<vmem_shared>>) offsets(%dma_start3A_273 : memref<128xi32, #tpu.memory_space<vmem>>) semaphore(%arg10 : memref<!tpu.dma_semaphore, #tpu.memory_space<semaphore_mem>>) {add = true}
    %dma_start3A_276 = arith.constant 27 : i32
    %dma_start3A_277 = arith.constant 0 : i32
    %dma_start3A_278 = tpu.memref_slice %arg5[%dma_start3A_276, %dma_start3A_277] : memref<32x128xi32, #tpu.memory_space<vmem>> -> memref<1x128xi32, #tpu.memory_space<vmem>>
    %dma_start3A_279 = tpu.memref_squeeze %dma_start3A_278 : memref<1x128xi32, #tpu.memory_space<vmem>> -> memref<128xi32, #tpu.memory_space<vmem>>
    %dma_start3A_280 = arith.constant 0 : i32
    %dma_start3A_281 = tpu.memref_slice %arg8[%dma_start3A_280] : memref<8192xf32, #tpu.memory_space<vmem_shared>> -> memref<8192xf32, #tpu.memory_space<vmem_shared>>
    tpu.enqueue_indirect_dma source(%arg6 : memref<128xf32, #tpu.memory_space<vmem>>) target(%dma_start3A_281 : memref<8192xf32, #tpu.memory_space<vmem_shared>>) offsets(%dma_start3A_279 : memref<128xi32, #tpu.memory_space<vmem>>) semaphore(%arg10 : memref<!tpu.dma_semaphore, #tpu.memory_space<semaphore_mem>>) {add = true}
    %dma_start3A_282 = arith.constant 28 : i32
    %dma_start3A_283 = arith.constant 0 : i32
    %dma_start3A_284 = tpu.memref_slice %arg5[%dma_start3A_282, %dma_start3A_283] : memref<32x128xi32, #tpu.memory_space<vmem>> -> memref<1x128xi32, #tpu.memory_space<vmem>>
    %dma_start3A_285 = tpu.memref_squeeze %dma_start3A_284 : memref<1x128xi32, #tpu.memory_space<vmem>> -> memref<128xi32, #tpu.memory_space<vmem>>
    %dma_start3A_286 = arith.constant 0 : i32
    %dma_start3A_287 = tpu.memref_slice %arg8[%dma_start3A_286] : memref<8192xf32, #tpu.memory_space<vmem_shared>> -> memref<8192xf32, #tpu.memory_space<vmem_shared>>
    tpu.enqueue_indirect_dma source(%arg6 : memref<128xf32, #tpu.memory_space<vmem>>) target(%dma_start3A_287 : memref<8192xf32, #tpu.memory_space<vmem_shared>>) offsets(%dma_start3A_285 : memref<128xi32, #tpu.memory_space<vmem>>) semaphore(%arg10 : memref<!tpu.dma_semaphore, #tpu.memory_space<semaphore_mem>>) {add = true}
    %dma_start3A_288 = arith.constant 29 : i32
    %dma_start3A_289 = arith.constant 0 : i32
    %dma_start3A_290 = tpu.memref_slice %arg5[%dma_start3A_288, %dma_start3A_289] : memref<32x128xi32, #tpu.memory_space<vmem>> -> memref<1x128xi32, #tpu.memory_space<vmem>>
    %dma_start3A_291 = tpu.memref_squeeze %dma_start3A_290 : memref<1x128xi32, #tpu.memory_space<vmem>> -> memref<128xi32, #tpu.memory_space<vmem>>
    %dma_start3A_292 = arith.constant 0 : i32
    %dma_start3A_293 = tpu.memref_slice %arg8[%dma_start3A_292] : memref<8192xf32, #tpu.memory_space<vmem_shared>> -> memref<8192xf32, #tpu.memory_space<vmem_shared>>
    tpu.enqueue_indirect_dma source(%arg6 : memref<128xf32, #tpu.memory_space<vmem>>) target(%dma_start3A_293 : memref<8192xf32, #tpu.memory_space<vmem_shared>>) offsets(%dma_start3A_291 : memref<128xi32, #tpu.memory_space<vmem>>) semaphore(%arg10 : memref<!tpu.dma_semaphore, #tpu.memory_space<semaphore_mem>>) {add = true}
    %dma_start3A_294 = arith.constant 30 : i32
    %dma_start3A_295 = arith.constant 0 : i32
    %dma_start3A_296 = tpu.memref_slice %arg5[%dma_start3A_294, %dma_start3A_295] : memref<32x128xi32, #tpu.memory_space<vmem>> -> memref<1x128xi32, #tpu.memory_space<vmem>>
    %dma_start3A_297 = tpu.memref_squeeze %dma_start3A_296 : memref<1x128xi32, #tpu.memory_space<vmem>> -> memref<128xi32, #tpu.memory_space<vmem>>
    %dma_start3A_298 = arith.constant 0 : i32
    %dma_start3A_299 = tpu.memref_slice %arg8[%dma_start3A_298] : memref<8192xf32, #tpu.memory_space<vmem_shared>> -> memref<8192xf32, #tpu.memory_space<vmem_shared>>
    tpu.enqueue_indirect_dma source(%arg6 : memref<128xf32, #tpu.memory_space<vmem>>) target(%dma_start3A_299 : memref<8192xf32, #tpu.memory_space<vmem_shared>>) offsets(%dma_start3A_297 : memref<128xi32, #tpu.memory_space<vmem>>) semaphore(%arg10 : memref<!tpu.dma_semaphore, #tpu.memory_space<semaphore_mem>>) {add = true}
    %dma_wait3A_300 = arith.constant 0 : i32
    %dma_wait3A_301 = arith.constant 0 : i32
    %dma_wait3A_302 = tpu.memref_slice %arg5[%dma_wait3A_300, %dma_wait3A_301] : memref<32x128xi32, #tpu.memory_space<vmem>> -> memref<1x128xi32, #tpu.memory_space<vmem>>
    %dma_wait3A_303 = tpu.memref_squeeze %dma_wait3A_302 : memref<1x128xi32, #tpu.memory_space<vmem>> -> memref<128xi32, #tpu.memory_space<vmem>>
    %dma_wait3A_304 = arith.constant 0 : i32
    %dma_wait3A_305 = tpu.memref_slice %arg8[%dma_wait3A_304] : memref<8192xf32, #tpu.memory_space<vmem_shared>> -> memref<8192xf32, #tpu.memory_space<vmem_shared>>
    tpu.wait_indirect_dma semaphore(%arg10 : memref<!tpu.dma_semaphore, #tpu.memory_space<semaphore_mem>>) src(%arg6 : memref<128xf32, #tpu.memory_space<vmem>>) dst(%dma_wait3A_305 : memref<8192xf32, #tpu.memory_space<vmem_shared>>)
    %dma_wait3A_306 = arith.constant 1 : i32
    %dma_wait3A_307 = arith.constant 0 : i32
    %dma_wait3A_308 = tpu.memref_slice %arg5[%dma_wait3A_306, %dma_wait3A_307] : memref<32x128xi32, #tpu.memory_space<vmem>> -> memref<1x128xi32, #tpu.memory_space<vmem>>
    %dma_wait3A_309 = tpu.memref_squeeze %dma_wait3A_308 : memref<1x128xi32, #tpu.memory_space<vmem>> -> memref<128xi32, #tpu.memory_space<vmem>>
    %dma_wait3A_310 = arith.constant 0 : i32
    %dma_wait3A_311 = tpu.memref_slice %arg8[%dma_wait3A_310] : memref<8192xf32, #tpu.memory_space<vmem_shared>> -> memref<8192xf32, #tpu.memory_space<vmem_shared>>
    tpu.wait_indirect_dma semaphore(%arg10 : memref<!tpu.dma_semaphore, #tpu.memory_space<semaphore_mem>>) src(%arg6 : memref<128xf32, #tpu.memory_space<vmem>>) dst(%dma_wait3A_311 : memref<8192xf32, #tpu.memory_space<vmem_shared>>)
    %dma_wait3A_312 = arith.constant 2 : i32
    %dma_wait3A_313 = arith.constant 0 : i32
    %dma_wait3A_314 = tpu.memref_slice %arg5[%dma_wait3A_312, %dma_wait3A_313] : memref<32x128xi32, #tpu.memory_space<vmem>> -> memref<1x128xi32, #tpu.memory_space<vmem>>
    %dma_wait3A_315 = tpu.memref_squeeze %dma_wait3A_314 : memref<1x128xi32, #tpu.memory_space<vmem>> -> memref<128xi32, #tpu.memory_space<vmem>>
    %dma_wait3A_316 = arith.constant 0 : i32
    %dma_wait3A_317 = tpu.memref_slice %arg8[%dma_wait3A_316] : memref<8192xf32, #tpu.memory_space<vmem_shared>> -> memref<8192xf32, #tpu.memory_space<vmem_shared>>
    tpu.wait_indirect_dma semaphore(%arg10 : memref<!tpu.dma_semaphore, #tpu.memory_space<semaphore_mem>>) src(%arg6 : memref<128xf32, #tpu.memory_space<vmem>>) dst(%dma_wait3A_317 : memref<8192xf32, #tpu.memory_space<vmem_shared>>)
    %dma_wait3A_318 = arith.constant 3 : i32
    %dma_wait3A_319 = arith.constant 0 : i32
    %dma_wait3A_320 = tpu.memref_slice %arg5[%dma_wait3A_318, %dma_wait3A_319] : memref<32x128xi32, #tpu.memory_space<vmem>> -> memref<1x128xi32, #tpu.memory_space<vmem>>
    %dma_wait3A_321 = tpu.memref_squeeze %dma_wait3A_320 : memref<1x128xi32, #tpu.memory_space<vmem>> -> memref<128xi32, #tpu.memory_space<vmem>>
    %dma_wait3A_322 = arith.constant 0 : i32
    %dma_wait3A_323 = tpu.memref_slice %arg8[%dma_wait3A_322] : memref<8192xf32, #tpu.memory_space<vmem_shared>> -> memref<8192xf32, #tpu.memory_space<vmem_shared>>
    tpu.wait_indirect_dma semaphore(%arg10 : memref<!tpu.dma_semaphore, #tpu.memory_space<semaphore_mem>>) src(%arg6 : memref<128xf32, #tpu.memory_space<vmem>>) dst(%dma_wait3A_323 : memref<8192xf32, #tpu.memory_space<vmem_shared>>)
    %dma_wait3A_324 = arith.constant 4 : i32
    %dma_wait3A_325 = arith.constant 0 : i32
    %dma_wait3A_326 = tpu.memref_slice %arg5[%dma_wait3A_324, %dma_wait3A_325] : memref<32x128xi32, #tpu.memory_space<vmem>> -> memref<1x128xi32, #tpu.memory_space<vmem>>
    %dma_wait3A_327 = tpu.memref_squeeze %dma_wait3A_326 : memref<1x128xi32, #tpu.memory_space<vmem>> -> memref<128xi32, #tpu.memory_space<vmem>>
    %dma_wait3A_328 = arith.constant 0 : i32
    %dma_wait3A_329 = tpu.memref_slice %arg8[%dma_wait3A_328] : memref<8192xf32, #tpu.memory_space<vmem_shared>> -> memref<8192xf32, #tpu.memory_space<vmem_shared>>
    tpu.wait_indirect_dma semaphore(%arg10 : memref<!tpu.dma_semaphore, #tpu.memory_space<semaphore_mem>>) src(%arg6 : memref<128xf32, #tpu.memory_space<vmem>>) dst(%dma_wait3A_329 : memref<8192xf32, #tpu.memory_space<vmem_shared>>)
    %dma_wait3A_330 = arith.constant 5 : i32
    %dma_wait3A_331 = arith.constant 0 : i32
    %dma_wait3A_332 = tpu.memref_slice %arg5[%dma_wait3A_330, %dma_wait3A_331] : memref<32x128xi32, #tpu.memory_space<vmem>> -> memref<1x128xi32, #tpu.memory_space<vmem>>
    %dma_wait3A_333 = tpu.memref_squeeze %dma_wait3A_332 : memref<1x128xi32, #tpu.memory_space<vmem>> -> memref<128xi32, #tpu.memory_space<vmem>>
    %dma_wait3A_334 = arith.constant 0 : i32
    %dma_wait3A_335 = tpu.memref_slice %arg8[%dma_wait3A_334] : memref<8192xf32, #tpu.memory_space<vmem_shared>> -> memref<8192xf32, #tpu.memory_space<vmem_shared>>
    tpu.wait_indirect_dma semaphore(%arg10 : memref<!tpu.dma_semaphore, #tpu.memory_space<semaphore_mem>>) src(%arg6 : memref<128xf32, #tpu.memory_space<vmem>>) dst(%dma_wait3A_335 : memref<8192xf32, #tpu.memory_space<vmem_shared>>)
    %dma_wait3A_336 = arith.constant 6 : i32
    %dma_wait3A_337 = arith.constant 0 : i32
    %dma_wait3A_338 = tpu.memref_slice %arg5[%dma_wait3A_336, %dma_wait3A_337] : memref<32x128xi32, #tpu.memory_space<vmem>> -> memref<1x128xi32, #tpu.memory_space<vmem>>
    %dma_wait3A_339 = tpu.memref_squeeze %dma_wait3A_338 : memref<1x128xi32, #tpu.memory_space<vmem>> -> memref<128xi32, #tpu.memory_space<vmem>>
    %dma_wait3A_340 = arith.constant 0 : i32
    %dma_wait3A_341 = tpu.memref_slice %arg8[%dma_wait3A_340] : memref<8192xf32, #tpu.memory_space<vmem_shared>> -> memref<8192xf32, #tpu.memory_space<vmem_shared>>
    tpu.wait_indirect_dma semaphore(%arg10 : memref<!tpu.dma_semaphore, #tpu.memory_space<semaphore_mem>>) src(%arg6 : memref<128xf32, #tpu.memory_space<vmem>>) dst(%dma_wait3A_341 : memref<8192xf32, #tpu.memory_space<vmem_shared>>)
    %dma_wait3A_342 = arith.constant 7 : i32
    %dma_wait3A_343 = arith.constant 0 : i32
    %dma_wait3A_344 = tpu.memref_slice %arg5[%dma_wait3A_342, %dma_wait3A_343] : memref<32x128xi32, #tpu.memory_space<vmem>> -> memref<1x128xi32, #tpu.memory_space<vmem>>
    %dma_wait3A_345 = tpu.memref_squeeze %dma_wait3A_344 : memref<1x128xi32, #tpu.memory_space<vmem>> -> memref<128xi32, #tpu.memory_space<vmem>>
    %dma_wait3A_346 = arith.constant 0 : i32
    %dma_wait3A_347 = tpu.memref_slice %arg8[%dma_wait3A_346] : memref<8192xf32, #tpu.memory_space<vmem_shared>> -> memref<8192xf32, #tpu.memory_space<vmem_shared>>
    tpu.wait_indirect_dma semaphore(%arg10 : memref<!tpu.dma_semaphore, #tpu.memory_space<semaphore_mem>>) src(%arg6 : memref<128xf32, #tpu.memory_space<vmem>>) dst(%dma_wait3A_347 : memref<8192xf32, #tpu.memory_space<vmem_shared>>)
    %dma_wait3A_348 = arith.constant 8 : i32
    %dma_wait3A_349 = arith.constant 0 : i32
    %dma_wait3A_350 = tpu.memref_slice %arg5[%dma_wait3A_348, %dma_wait3A_349] : memref<32x128xi32, #tpu.memory_space<vmem>> -> memref<1x128xi32, #tpu.memory_space<vmem>>
    %dma_wait3A_351 = tpu.memref_squeeze %dma_wait3A_350 : memref<1x128xi32, #tpu.memory_space<vmem>> -> memref<128xi32, #tpu.memory_space<vmem>>
    %dma_wait3A_352 = arith.constant 0 : i32
    %dma_wait3A_353 = tpu.memref_slice %arg8[%dma_wait3A_352] : memref<8192xf32, #tpu.memory_space<vmem_shared>> -> memref<8192xf32, #tpu.memory_space<vmem_shared>>
    tpu.wait_indirect_dma semaphore(%arg10 : memref<!tpu.dma_semaphore, #tpu.memory_space<semaphore_mem>>) src(%arg6 : memref<128xf32, #tpu.memory_space<vmem>>) dst(%dma_wait3A_353 : memref<8192xf32, #tpu.memory_space<vmem_shared>>)
    %dma_wait3A_354 = arith.constant 9 : i32
    %dma_wait3A_355 = arith.constant 0 : i32
    %dma_wait3A_356 = tpu.memref_slice %arg5[%dma_wait3A_354, %dma_wait3A_355] : memref<32x128xi32, #tpu.memory_space<vmem>> -> memref<1x128xi32, #tpu.memory_space<vmem>>
    %dma_wait3A_357 = tpu.memref_squeeze %dma_wait3A_356 : memref<1x128xi32, #tpu.memory_space<vmem>> -> memref<128xi32, #tpu.memory_space<vmem>>
    %dma_wait3A_358 = arith.constant 0 : i32
    %dma_wait3A_359 = tpu.memref_slice %arg8[%dma_wait3A_358] : memref<8192xf32, #tpu.memory_space<vmem_shared>> -> memref<8192xf32, #tpu.memory_space<vmem_shared>>
    tpu.wait_indirect_dma semaphore(%arg10 : memref<!tpu.dma_semaphore, #tpu.memory_space<semaphore_mem>>) src(%arg6 : memref<128xf32, #tpu.memory_space<vmem>>) dst(%dma_wait3A_359 : memref<8192xf32, #tpu.memory_space<vmem_shared>>)
    %dma_wait3A_360 = arith.constant 10 : i32
    %dma_wait3A_361 = arith.constant 0 : i32
    %dma_wait3A_362 = tpu.memref_slice %arg5[%dma_wait3A_360, %dma_wait3A_361] : memref<32x128xi32, #tpu.memory_space<vmem>> -> memref<1x128xi32, #tpu.memory_space<vmem>>
    %dma_wait3A_363 = tpu.memref_squeeze %dma_wait3A_362 : memref<1x128xi32, #tpu.memory_space<vmem>> -> memref<128xi32, #tpu.memory_space<vmem>>
    %dma_wait3A_364 = arith.constant 0 : i32
    %dma_wait3A_365 = tpu.memref_slice %arg8[%dma_wait3A_364] : memref<8192xf32, #tpu.memory_space<vmem_shared>> -> memref<8192xf32, #tpu.memory_space<vmem_shared>>
    tpu.wait_indirect_dma semaphore(%arg10 : memref<!tpu.dma_semaphore, #tpu.memory_space<semaphore_mem>>) src(%arg6 : memref<128xf32, #tpu.memory_space<vmem>>) dst(%dma_wait3A_365 : memref<8192xf32, #tpu.memory_space<vmem_shared>>)
    %dma_wait3A_366 = arith.constant 11 : i32
    %dma_wait3A_367 = arith.constant 0 : i32
    %dma_wait3A_368 = tpu.memref_slice %arg5[%dma_wait3A_366, %dma_wait3A_367] : memref<32x128xi32, #tpu.memory_space<vmem>> -> memref<1x128xi32, #tpu.memory_space<vmem>>
    %dma_wait3A_369 = tpu.memref_squeeze %dma_wait3A_368 : memref<1x128xi32, #tpu.memory_space<vmem>> -> memref<128xi32, #tpu.memory_space<vmem>>
    %dma_wait3A_370 = arith.constant 0 : i32
    %dma_wait3A_371 = tpu.memref_slice %arg8[%dma_wait3A_370] : memref<8192xf32, #tpu.memory_space<vmem_shared>> -> memref<8192xf32, #tpu.memory_space<vmem_shared>>
    tpu.wait_indirect_dma semaphore(%arg10 : memref<!tpu.dma_semaphore, #tpu.memory_space<semaphore_mem>>) src(%arg6 : memref<128xf32, #tpu.memory_space<vmem>>) dst(%dma_wait3A_371 : memref<8192xf32, #tpu.memory_space<vmem_shared>>)
    %dma_wait3A_372 = arith.constant 12 : i32
    %dma_wait3A_373 = arith.constant 0 : i32
    %dma_wait3A_374 = tpu.memref_slice %arg5[%dma_wait3A_372, %dma_wait3A_373] : memref<32x128xi32, #tpu.memory_space<vmem>> -> memref<1x128xi32, #tpu.memory_space<vmem>>
    %dma_wait3A_375 = tpu.memref_squeeze %dma_wait3A_374 : memref<1x128xi32, #tpu.memory_space<vmem>> -> memref<128xi32, #tpu.memory_space<vmem>>
    %dma_wait3A_376 = arith.constant 0 : i32
    %dma_wait3A_377 = tpu.memref_slice %arg8[%dma_wait3A_376] : memref<8192xf32, #tpu.memory_space<vmem_shared>> -> memref<8192xf32, #tpu.memory_space<vmem_shared>>
    tpu.wait_indirect_dma semaphore(%arg10 : memref<!tpu.dma_semaphore, #tpu.memory_space<semaphore_mem>>) src(%arg6 : memref<128xf32, #tpu.memory_space<vmem>>) dst(%dma_wait3A_377 : memref<8192xf32, #tpu.memory_space<vmem_shared>>)
    %dma_wait3A_378 = arith.constant 13 : i32
    %dma_wait3A_379 = arith.constant 0 : i32
    %dma_wait3A_380 = tpu.memref_slice %arg5[%dma_wait3A_378, %dma_wait3A_379] : memref<32x128xi32, #tpu.memory_space<vmem>> -> memref<1x128xi32, #tpu.memory_space<vmem>>
    %dma_wait3A_381 = tpu.memref_squeeze %dma_wait3A_380 : memref<1x128xi32, #tpu.memory_space<vmem>> -> memref<128xi32, #tpu.memory_space<vmem>>
    %dma_wait3A_382 = arith.constant 0 : i32
    %dma_wait3A_383 = tpu.memref_slice %arg8[%dma_wait3A_382] : memref<8192xf32, #tpu.memory_space<vmem_shared>> -> memref<8192xf32, #tpu.memory_space<vmem_shared>>
    tpu.wait_indirect_dma semaphore(%arg10 : memref<!tpu.dma_semaphore, #tpu.memory_space<semaphore_mem>>) src(%arg6 : memref<128xf32, #tpu.memory_space<vmem>>) dst(%dma_wait3A_383 : memref<8192xf32, #tpu.memory_space<vmem_shared>>)
    %dma_wait3A_384 = arith.constant 14 : i32
    %dma_wait3A_385 = arith.constant 0 : i32
    %dma_wait3A_386 = tpu.memref_slice %arg5[%dma_wait3A_384, %dma_wait3A_385] : memref<32x128xi32, #tpu.memory_space<vmem>> -> memref<1x128xi32, #tpu.memory_space<vmem>>
    %dma_wait3A_387 = tpu.memref_squeeze %dma_wait3A_386 : memref<1x128xi32, #tpu.memory_space<vmem>> -> memref<128xi32, #tpu.memory_space<vmem>>
    %dma_wait3A_388 = arith.constant 0 : i32
    %dma_wait3A_389 = tpu.memref_slice %arg8[%dma_wait3A_388] : memref<8192xf32, #tpu.memory_space<vmem_shared>> -> memref<8192xf32, #tpu.memory_space<vmem_shared>>
    tpu.wait_indirect_dma semaphore(%arg10 : memref<!tpu.dma_semaphore, #tpu.memory_space<semaphore_mem>>) src(%arg6 : memref<128xf32, #tpu.memory_space<vmem>>) dst(%dma_wait3A_389 : memref<8192xf32, #tpu.memory_space<vmem_shared>>)
    %dma_wait3A_390 = arith.constant 15 : i32
    %dma_wait3A_391 = arith.constant 0 : i32
    %dma_wait3A_392 = tpu.memref_slice %arg5[%dma_wait3A_390, %dma_wait3A_391] : memref<32x128xi32, #tpu.memory_space<vmem>> -> memref<1x128xi32, #tpu.memory_space<vmem>>
    %dma_wait3A_393 = tpu.memref_squeeze %dma_wait3A_392 : memref<1x128xi32, #tpu.memory_space<vmem>> -> memref<128xi32, #tpu.memory_space<vmem>>
    %dma_wait3A_394 = arith.constant 0 : i32
    %dma_wait3A_395 = tpu.memref_slice %arg8[%dma_wait3A_394] : memref<8192xf32, #tpu.memory_space<vmem_shared>> -> memref<8192xf32, #tpu.memory_space<vmem_shared>>
    tpu.wait_indirect_dma semaphore(%arg10 : memref<!tpu.dma_semaphore, #tpu.memory_space<semaphore_mem>>) src(%arg6 : memref<128xf32, #tpu.memory_space<vmem>>) dst(%dma_wait3A_395 : memref<8192xf32, #tpu.memory_space<vmem_shared>>)
    %dma_wait3A_396 = arith.constant 16 : i32
    %dma_wait3A_397 = arith.constant 0 : i32
    %dma_wait3A_398 = tpu.memref_slice %arg5[%dma_wait3A_396, %dma_wait3A_397] : memref<32x128xi32, #tpu.memory_space<vmem>> -> memref<1x128xi32, #tpu.memory_space<vmem>>
    %dma_wait3A_399 = tpu.memref_squeeze %dma_wait3A_398 : memref<1x128xi32, #tpu.memory_space<vmem>> -> memref<128xi32, #tpu.memory_space<vmem>>
    %dma_wait3A_400 = arith.constant 0 : i32
    %dma_wait3A_401 = tpu.memref_slice %arg8[%dma_wait3A_400] : memref<8192xf32, #tpu.memory_space<vmem_shared>> -> memref<8192xf32, #tpu.memory_space<vmem_shared>>
    tpu.wait_indirect_dma semaphore(%arg10 : memref<!tpu.dma_semaphore, #tpu.memory_space<semaphore_mem>>) src(%arg6 : memref<128xf32, #tpu.memory_space<vmem>>) dst(%dma_wait3A_401 : memref<8192xf32, #tpu.memory_space<vmem_shared>>)
    %dma_wait3A_402 = arith.constant 17 : i32
    %dma_wait3A_403 = arith.constant 0 : i32
    %dma_wait3A_404 = tpu.memref_slice %arg5[%dma_wait3A_402, %dma_wait3A_403] : memref<32x128xi32, #tpu.memory_space<vmem>> -> memref<1x128xi32, #tpu.memory_space<vmem>>
    %dma_wait3A_405 = tpu.memref_squeeze %dma_wait3A_404 : memref<1x128xi32, #tpu.memory_space<vmem>> -> memref<128xi32, #tpu.memory_space<vmem>>
    %dma_wait3A_406 = arith.constant 0 : i32
    %dma_wait3A_407 = tpu.memref_slice %arg8[%dma_wait3A_406] : memref<8192xf32, #tpu.memory_space<vmem_shared>> -> memref<8192xf32, #tpu.memory_space<vmem_shared>>
    tpu.wait_indirect_dma semaphore(%arg10 : memref<!tpu.dma_semaphore, #tpu.memory_space<semaphore_mem>>) src(%arg6 : memref<128xf32, #tpu.memory_space<vmem>>) dst(%dma_wait3A_407 : memref<8192xf32, #tpu.memory_space<vmem_shared>>)
    %dma_wait3A_408 = arith.constant 18 : i32
    %dma_wait3A_409 = arith.constant 0 : i32
    %dma_wait3A_410 = tpu.memref_slice %arg5[%dma_wait3A_408, %dma_wait3A_409] : memref<32x128xi32, #tpu.memory_space<vmem>> -> memref<1x128xi32, #tpu.memory_space<vmem>>
    %dma_wait3A_411 = tpu.memref_squeeze %dma_wait3A_410 : memref<1x128xi32, #tpu.memory_space<vmem>> -> memref<128xi32, #tpu.memory_space<vmem>>
    %dma_wait3A_412 = arith.constant 0 : i32
    %dma_wait3A_413 = tpu.memref_slice %arg8[%dma_wait3A_412] : memref<8192xf32, #tpu.memory_space<vmem_shared>> -> memref<8192xf32, #tpu.memory_space<vmem_shared>>
    tpu.wait_indirect_dma semaphore(%arg10 : memref<!tpu.dma_semaphore, #tpu.memory_space<semaphore_mem>>) src(%arg6 : memref<128xf32, #tpu.memory_space<vmem>>) dst(%dma_wait3A_413 : memref<8192xf32, #tpu.memory_space<vmem_shared>>)
    %dma_wait3A_414 = arith.constant 19 : i32
    %dma_wait3A_415 = arith.constant 0 : i32
    %dma_wait3A_416 = tpu.memref_slice %arg5[%dma_wait3A_414, %dma_wait3A_415] : memref<32x128xi32, #tpu.memory_space<vmem>> -> memref<1x128xi32, #tpu.memory_space<vmem>>
    %dma_wait3A_417 = tpu.memref_squeeze %dma_wait3A_416 : memref<1x128xi32, #tpu.memory_space<vmem>> -> memref<128xi32, #tpu.memory_space<vmem>>
    %dma_wait3A_418 = arith.constant 0 : i32
    %dma_wait3A_419 = tpu.memref_slice %arg8[%dma_wait3A_418] : memref<8192xf32, #tpu.memory_space<vmem_shared>> -> memref<8192xf32, #tpu.memory_space<vmem_shared>>
    tpu.wait_indirect_dma semaphore(%arg10 : memref<!tpu.dma_semaphore, #tpu.memory_space<semaphore_mem>>) src(%arg6 : memref<128xf32, #tpu.memory_space<vmem>>) dst(%dma_wait3A_419 : memref<8192xf32, #tpu.memory_space<vmem_shared>>)
    %dma_wait3A_420 = arith.constant 20 : i32
    %dma_wait3A_421 = arith.constant 0 : i32
    %dma_wait3A_422 = tpu.memref_slice %arg5[%dma_wait3A_420, %dma_wait3A_421] : memref<32x128xi32, #tpu.memory_space<vmem>> -> memref<1x128xi32, #tpu.memory_space<vmem>>
    %dma_wait3A_423 = tpu.memref_squeeze %dma_wait3A_422 : memref<1x128xi32, #tpu.memory_space<vmem>> -> memref<128xi32, #tpu.memory_space<vmem>>
    %dma_wait3A_424 = arith.constant 0 : i32
    %dma_wait3A_425 = tpu.memref_slice %arg8[%dma_wait3A_424] : memref<8192xf32, #tpu.memory_space<vmem_shared>> -> memref<8192xf32, #tpu.memory_space<vmem_shared>>
    tpu.wait_indirect_dma semaphore(%arg10 : memref<!tpu.dma_semaphore, #tpu.memory_space<semaphore_mem>>) src(%arg6 : memref<128xf32, #tpu.memory_space<vmem>>) dst(%dma_wait3A_425 : memref<8192xf32, #tpu.memory_space<vmem_shared>>)
    %dma_wait3A_426 = arith.constant 21 : i32
    %dma_wait3A_427 = arith.constant 0 : i32
    %dma_wait3A_428 = tpu.memref_slice %arg5[%dma_wait3A_426, %dma_wait3A_427] : memref<32x128xi32, #tpu.memory_space<vmem>> -> memref<1x128xi32, #tpu.memory_space<vmem>>
    %dma_wait3A_429 = tpu.memref_squeeze %dma_wait3A_428 : memref<1x128xi32, #tpu.memory_space<vmem>> -> memref<128xi32, #tpu.memory_space<vmem>>
    %dma_wait3A_430 = arith.constant 0 : i32
    %dma_wait3A_431 = tpu.memref_slice %arg8[%dma_wait3A_430] : memref<8192xf32, #tpu.memory_space<vmem_shared>> -> memref<8192xf32, #tpu.memory_space<vmem_shared>>
    tpu.wait_indirect_dma semaphore(%arg10 : memref<!tpu.dma_semaphore, #tpu.memory_space<semaphore_mem>>) src(%arg6 : memref<128xf32, #tpu.memory_space<vmem>>) dst(%dma_wait3A_431 : memref<8192xf32, #tpu.memory_space<vmem_shared>>)
    %dma_wait3A_432 = arith.constant 22 : i32
    %dma_wait3A_433 = arith.constant 0 : i32
    %dma_wait3A_434 = tpu.memref_slice %arg5[%dma_wait3A_432, %dma_wait3A_433] : memref<32x128xi32, #tpu.memory_space<vmem>> -> memref<1x128xi32, #tpu.memory_space<vmem>>
    %dma_wait3A_435 = tpu.memref_squeeze %dma_wait3A_434 : memref<1x128xi32, #tpu.memory_space<vmem>> -> memref<128xi32, #tpu.memory_space<vmem>>
    %dma_wait3A_436 = arith.constant 0 : i32
    %dma_wait3A_437 = tpu.memref_slice %arg8[%dma_wait3A_436] : memref<8192xf32, #tpu.memory_space<vmem_shared>> -> memref<8192xf32, #tpu.memory_space<vmem_shared>>
    tpu.wait_indirect_dma semaphore(%arg10 : memref<!tpu.dma_semaphore, #tpu.memory_space<semaphore_mem>>) src(%arg6 : memref<128xf32, #tpu.memory_space<vmem>>) dst(%dma_wait3A_437 : memref<8192xf32, #tpu.memory_space<vmem_shared>>)
    %dma_wait3A_438 = arith.constant 23 : i32
    %dma_wait3A_439 = arith.constant 0 : i32
    %dma_wait3A_440 = tpu.memref_slice %arg5[%dma_wait3A_438, %dma_wait3A_439] : memref<32x128xi32, #tpu.memory_space<vmem>> -> memref<1x128xi32, #tpu.memory_space<vmem>>
    %dma_wait3A_441 = tpu.memref_squeeze %dma_wait3A_440 : memref<1x128xi32, #tpu.memory_space<vmem>> -> memref<128xi32, #tpu.memory_space<vmem>>
    %dma_wait3A_442 = arith.constant 0 : i32
    %dma_wait3A_443 = tpu.memref_slice %arg8[%dma_wait3A_442] : memref<8192xf32, #tpu.memory_space<vmem_shared>> -> memref<8192xf32, #tpu.memory_space<vmem_shared>>
    tpu.wait_indirect_dma semaphore(%arg10 : memref<!tpu.dma_semaphore, #tpu.memory_space<semaphore_mem>>) src(%arg6 : memref<128xf32, #tpu.memory_space<vmem>>) dst(%dma_wait3A_443 : memref<8192xf32, #tpu.memory_space<vmem_shared>>)
    %dma_wait3A_444 = arith.constant 24 : i32
    %dma_wait3A_445 = arith.constant 0 : i32
    %dma_wait3A_446 = tpu.memref_slice %arg5[%dma_wait3A_444, %dma_wait3A_445] : memref<32x128xi32, #tpu.memory_space<vmem>> -> memref<1x128xi32, #tpu.memory_space<vmem>>
    %dma_wait3A_447 = tpu.memref_squeeze %dma_wait3A_446 : memref<1x128xi32, #tpu.memory_space<vmem>> -> memref<128xi32, #tpu.memory_space<vmem>>
    %dma_wait3A_448 = arith.constant 0 : i32
    %dma_wait3A_449 = tpu.memref_slice %arg8[%dma_wait3A_448] : memref<8192xf32, #tpu.memory_space<vmem_shared>> -> memref<8192xf32, #tpu.memory_space<vmem_shared>>
    tpu.wait_indirect_dma semaphore(%arg10 : memref<!tpu.dma_semaphore, #tpu.memory_space<semaphore_mem>>) src(%arg6 : memref<128xf32, #tpu.memory_space<vmem>>) dst(%dma_wait3A_449 : memref<8192xf32, #tpu.memory_space<vmem_shared>>)
    %dma_wait3A_450 = arith.constant 25 : i32
    %dma_wait3A_451 = arith.constant 0 : i32
    %dma_wait3A_452 = tpu.memref_slice %arg5[%dma_wait3A_450, %dma_wait3A_451] : memref<32x128xi32, #tpu.memory_space<vmem>> -> memref<1x128xi32, #tpu.memory_space<vmem>>
    %dma_wait3A_453 = tpu.memref_squeeze %dma_wait3A_452 : memref<1x128xi32, #tpu.memory_space<vmem>> -> memref<128xi32, #tpu.memory_space<vmem>>
    %dma_wait3A_454 = arith.constant 0 : i32
    %dma_wait3A_455 = tpu.memref_slice %arg8[%dma_wait3A_454] : memref<8192xf32, #tpu.memory_space<vmem_shared>> -> memref<8192xf32, #tpu.memory_space<vmem_shared>>
    tpu.wait_indirect_dma semaphore(%arg10 : memref<!tpu.dma_semaphore, #tpu.memory_space<semaphore_mem>>) src(%arg6 : memref<128xf32, #tpu.memory_space<vmem>>) dst(%dma_wait3A_455 : memref<8192xf32, #tpu.memory_space<vmem_shared>>)
    %dma_wait3A_456 = arith.constant 26 : i32
    %dma_wait3A_457 = arith.constant 0 : i32
    %dma_wait3A_458 = tpu.memref_slice %arg5[%dma_wait3A_456, %dma_wait3A_457] : memref<32x128xi32, #tpu.memory_space<vmem>> -> memref<1x128xi32, #tpu.memory_space<vmem>>
    %dma_wait3A_459 = tpu.memref_squeeze %dma_wait3A_458 : memref<1x128xi32, #tpu.memory_space<vmem>> -> memref<128xi32, #tpu.memory_space<vmem>>
    %dma_wait3A_460 = arith.constant 0 : i32
    %dma_wait3A_461 = tpu.memref_slice %arg8[%dma_wait3A_460] : memref<8192xf32, #tpu.memory_space<vmem_shared>> -> memref<8192xf32, #tpu.memory_space<vmem_shared>>
    tpu.wait_indirect_dma semaphore(%arg10 : memref<!tpu.dma_semaphore, #tpu.memory_space<semaphore_mem>>) src(%arg6 : memref<128xf32, #tpu.memory_space<vmem>>) dst(%dma_wait3A_461 : memref<8192xf32, #tpu.memory_space<vmem_shared>>)
    %dma_wait3A_462 = arith.constant 27 : i32
    %dma_wait3A_463 = arith.constant 0 : i32
    %dma_wait3A_464 = tpu.memref_slice %arg5[%dma_wait3A_462, %dma_wait3A_463] : memref<32x128xi32, #tpu.memory_space<vmem>> -> memref<1x128xi32, #tpu.memory_space<vmem>>
    %dma_wait3A_465 = tpu.memref_squeeze %dma_wait3A_464 : memref<1x128xi32, #tpu.memory_space<vmem>> -> memref<128xi32, #tpu.memory_space<vmem>>
    %dma_wait3A_466 = arith.constant 0 : i32
    %dma_wait3A_467 = tpu.memref_slice %arg8[%dma_wait3A_466] : memref<8192xf32, #tpu.memory_space<vmem_shared>> -> memref<8192xf32, #tpu.memory_space<vmem_shared>>
    tpu.wait_indirect_dma semaphore(%arg10 : memref<!tpu.dma_semaphore, #tpu.memory_space<semaphore_mem>>) src(%arg6 : memref<128xf32, #tpu.memory_space<vmem>>) dst(%dma_wait3A_467 : memref<8192xf32, #tpu.memory_space<vmem_shared>>)
    %dma_wait3A_468 = arith.constant 28 : i32
    %dma_wait3A_469 = arith.constant 0 : i32
    %dma_wait3A_470 = tpu.memref_slice %arg5[%dma_wait3A_468, %dma_wait3A_469] : memref<32x128xi32, #tpu.memory_space<vmem>> -> memref<1x128xi32, #tpu.memory_space<vmem>>
    %dma_wait3A_471 = tpu.memref_squeeze %dma_wait3A_470 : memref<1x128xi32, #tpu.memory_space<vmem>> -> memref<128xi32, #tpu.memory_space<vmem>>
    %dma_wait3A_472 = arith.constant 0 : i32
    %dma_wait3A_473 = tpu.memref_slice %arg8[%dma_wait3A_472] : memref<8192xf32, #tpu.memory_space<vmem_shared>> -> memref<8192xf32, #tpu.memory_space<vmem_shared>>
    tpu.wait_indirect_dma semaphore(%arg10 : memref<!tpu.dma_semaphore, #tpu.memory_space<semaphore_mem>>) src(%arg6 : memref<128xf32, #tpu.memory_space<vmem>>) dst(%dma_wait3A_473 : memref<8192xf32, #tpu.memory_space<vmem_shared>>)
    %dma_wait3A_474 = arith.constant 29 : i32
    %dma_wait3A_475 = arith.constant 0 : i32
    %dma_wait3A_476 = tpu.memref_slice %arg5[%dma_wait3A_474, %dma_wait3A_475] : memref<32x128xi32, #tpu.memory_space<vmem>> -> memref<1x128xi32, #tpu.memory_space<vmem>>
    %dma_wait3A_477 = tpu.memref_squeeze %dma_wait3A_476 : memref<1x128xi32, #tpu.memory_space<vmem>> -> memref<128xi32, #tpu.memory_space<vmem>>
    %dma_wait3A_478 = arith.constant 0 : i32
    %dma_wait3A_479 = tpu.memref_slice %arg8[%dma_wait3A_478] : memref<8192xf32, #tpu.memory_space<vmem_shared>> -> memref<8192xf32, #tpu.memory_space<vmem_shared>>
    tpu.wait_indirect_dma semaphore(%arg10 : memref<!tpu.dma_semaphore, #tpu.memory_space<semaphore_mem>>) src(%arg6 : memref<128xf32, #tpu.memory_space<vmem>>) dst(%dma_wait3A_479 : memref<8192xf32, #tpu.memory_space<vmem_shared>>)
    %dma_wait3A_480 = arith.constant 30 : i32
    %dma_wait3A_481 = arith.constant 0 : i32
    %dma_wait3A_482 = tpu.memref_slice %arg5[%dma_wait3A_480, %dma_wait3A_481] : memref<32x128xi32, #tpu.memory_space<vmem>> -> memref<1x128xi32, #tpu.memory_space<vmem>>
    %dma_wait3A_483 = tpu.memref_squeeze %dma_wait3A_482 : memref<1x128xi32, #tpu.memory_space<vmem>> -> memref<128xi32, #tpu.memory_space<vmem>>
    %dma_wait3A_484 = arith.constant 0 : i32
    %dma_wait3A_485 = tpu.memref_slice %arg8[%dma_wait3A_484] : memref<8192xf32, #tpu.memory_space<vmem_shared>> -> memref<8192xf32, #tpu.memory_space<vmem_shared>>
    tpu.wait_indirect_dma semaphore(%arg10 : memref<!tpu.dma_semaphore, #tpu.memory_space<semaphore_mem>>) src(%arg6 : memref<128xf32, #tpu.memory_space<vmem>>) dst(%dma_wait3A_485 : memref<8192xf32, #tpu.memory_space<vmem_shared>>)
    %lt3A_486 = arith.constant 8 : i32
    %lt3A_487 = arith.cmpi slt, %add3A, %lt3A_486 : i32
    %convert_element_type3A_488 = arith.extui %lt3A_487 : i1 to i32
    %cond3A_489 = arith.constant 0 : i32
    %cond3A_490 = arith.cmpi ne, %convert_element_type3A_488, %cond3A_489 : i32
    scf.if %cond3A_490 {
      %dma_start3A_506 = arith.constant 31 : i32
      %dma_start3A_507 = arith.constant 0 : i32
      %dma_start3A_508 = tpu.memref_slice %arg5[%dma_start3A_506, %dma_start3A_507] : memref<32x128xi32, #tpu.memory_space<vmem>> -> memref<1x128xi32, #tpu.memory_space<vmem>>
      %dma_start3A_509 = tpu.memref_squeeze %dma_start3A_508 : memref<1x128xi32, #tpu.memory_space<vmem>> -> memref<128xi32, #tpu.memory_space<vmem>>
      %dma_start3A_510 = arith.constant 0 : i32
      %dma_start3A_511 = tpu.memref_slice %arg8[%dma_start3A_510] : memref<8192xf32, #tpu.memory_space<vmem_shared>> -> memref<8192xf32, #tpu.memory_space<vmem_shared>>
      tpu.enqueue_indirect_dma source(%arg6 : memref<128xf32, #tpu.memory_space<vmem>>) target(%dma_start3A_511 : memref<8192xf32, #tpu.memory_space<vmem_shared>>) offsets(%dma_start3A_509 : memref<128xi32, #tpu.memory_space<vmem>>) semaphore(%arg10 : memref<!tpu.dma_semaphore, #tpu.memory_space<semaphore_mem>>) {add = true}
      %dma_wait3A_512 = arith.constant 31 : i32
      %dma_wait3A_513 = arith.constant 0 : i32
      %dma_wait3A_514 = tpu.memref_slice %arg5[%dma_wait3A_512, %dma_wait3A_513] : memref<32x128xi32, #tpu.memory_space<vmem>> -> memref<1x128xi32, #tpu.memory_space<vmem>>
      %dma_wait3A_515 = tpu.memref_squeeze %dma_wait3A_514 : memref<1x128xi32, #tpu.memory_space<vmem>> -> memref<128xi32, #tpu.memory_space<vmem>>
      %dma_wait3A_516 = arith.constant 0 : i32
      %dma_wait3A_517 = tpu.memref_slice %arg8[%dma_wait3A_516] : memref<8192xf32, #tpu.memory_space<vmem_shared>> -> memref<8192xf32, #tpu.memory_space<vmem_shared>>
      tpu.wait_indirect_dma semaphore(%arg10 : memref<!tpu.dma_semaphore, #tpu.memory_space<semaphore_mem>>) src(%arg6 : memref<128xf32, #tpu.memory_space<vmem>>) dst(%dma_wait3A_517 : memref<8192xf32, #tpu.memory_space<vmem_shared>>)
    } else {
    }
    %barrier3A_491 = arith.constant 0 : index
    tpu.barrier barrier_id(%barrier3A_491)
    %eq3A = arith.constant 0 : i32
    %eq3A_492 = arith.cmpi eq, %arg1, %eq3A : i32
    %eq3A_493 = arith.constant 0 : i32
    %eq3A_494 = arith.cmpi eq, %arg0, %eq3A_493 : i32
    %and3A = arith.andi %eq3A_492, %eq3A_494 : i1
    %convert_element_type3A_495 = arith.extui %and3A : i1 to i32
    %cond3A_496 = arith.constant 0 : i32
    %cond3A_497 = arith.cmpi ne, %convert_element_type3A_495, %cond3A_496 : i32
    scf.if %cond3A_497 {
      "tpu.region"() ({
        %run_scoped3A = tpu.sem_alloc : memref<!tpu.dma_semaphore, #tpu.memory_space<semaphore_mem>>
        tpu.enqueue_dma source(%arg8 : memref<8192xf32, #tpu.memory_space<vmem_shared>>) target(%arg3 : memref<8192xf32, #tpu.memory_space<hbm>>) target_semaphore(%run_scoped3A : memref<!tpu.dma_semaphore, #tpu.memory_space<semaphore_mem>>)
        tpu.wait_dma2 semaphore(%run_scoped3A : memref<!tpu.dma_semaphore, #tpu.memory_space<semaphore_mem>>) src(%arg8 : memref<8192xf32, #tpu.memory_space<vmem_shared>>) dst(%arg3 : memref<8192xf32, #tpu.memory_space<hbm>>)
        tpu.yield
      }) : () -> ()
    } else {
    }
    %eq3A_498 = arith.constant 0 : i32
    %eq3A_499 = arith.cmpi eq, %arg1, %eq3A_498 : i32
    %eq3A_500 = arith.constant 1 : i32
    %eq3A_501 = arith.cmpi eq, %arg0, %eq3A_500 : i32
    %and3A_502 = arith.andi %eq3A_499, %eq3A_501 : i1
    %convert_element_type3A_503 = arith.extui %and3A_502 : i1 to i32
    %cond3A_504 = arith.constant 0 : i32
    %cond3A_505 = arith.cmpi ne, %convert_element_type3A_503, %cond3A_504 : i32
    scf.if %cond3A_505 {
      "tpu.region"() ({
        %run_scoped3A = tpu.sem_alloc : memref<!tpu.dma_semaphore, #tpu.memory_space<semaphore_mem>>
        tpu.enqueue_dma source(%arg8 : memref<8192xf32, #tpu.memory_space<vmem_shared>>) target(%arg4 : memref<8192xf32, #tpu.memory_space<hbm>>) target_semaphore(%run_scoped3A : memref<!tpu.dma_semaphore, #tpu.memory_space<semaphore_mem>>)
        tpu.wait_dma2 semaphore(%run_scoped3A : memref<!tpu.dma_semaphore, #tpu.memory_space<semaphore_mem>>) src(%arg8 : memref<8192xf32, #tpu.memory_space<vmem_shared>>) dst(%arg4 : memref<8192xf32, #tpu.memory_space<hbm>>)
        tpu.yield
      }) : () -> ()
    } else {
    }
    return
  }
}

module attributes {stable_mosaic.version = 14 : i64} {
  func.func @_tc_update_body(%arg0: i32, %arg1: memref<2000x128xf32, #tpu.memory_space<vmem>>, %arg2: memref<1x128xf32, #tpu.memory_space<vmem>>, %arg3: memref<24x128xf32, #tpu.memory_space<vmem>>, %arg4: memref<2000x128xf32, #tpu.memory_space<vmem>>) attributes {dimension_semantics = [#tpu.dimension_semantics<arbitrary>], iteration_bounds = array<i64: 5>, scalar_prefetch = 0 : i64, scratch_operands = 0 : i64, tpu.core_type = #tpu.core_type<tc>, window_params = [{transform_indices = @transform_0, window_bounds = array<i64: 2000, 128>}, {pipeline_mode = #tpu.pipeline_mode<synchronous>, transform_indices = @transform_1, window_bounds = array<i64: 1, 128>}, {transform_indices = @transform_2, window_bounds = array<i64: 24, 128>}, {transform_indices = @transform_3, window_bounds = array<i64: 2000, 128>}]} {
    %lt3A = arith.constant 1 : i32
    %lt3A_0 = arith.cmpi slt, %arg0, %lt3A : i32
    %convert_element_type3A = arith.extui %lt3A_0 : i1 to i32
    %cond3A = arith.constant 0 : i32
    %cond3A_1 = arith.cmpi ne, %convert_element_type3A, %cond3A : i32
    scf.if %cond3A_1 {
      %get3A = arith.constant 0 : index
      %get3A_6 = arith.constant 0 : index
      %get3A_7 = vector.load %arg1[%get3A, %get3A_6] : memref<2000x128xf32, #tpu.memory_space<vmem>>, vector<2000x128xf32>
      %swap3A = arith.constant 0 : index
      %swap3A_8 = arith.constant 0 : index
      %swap3A_9 = vector.load %arg4[%swap3A, %swap3A_8] : memref<2000x128xf32, #tpu.memory_space<vmem>>, vector<2000x128xf32>
      tpu.vector_store %arg4[%swap3A, %swap3A_8], %get3A_7 {strides = array<i32>} : memref<2000x128xf32, #tpu.memory_space<vmem>>, vector<2000x128xf32>,
    } else {
    }
    %ge3A = arith.constant 1 : i32
    %ge3A_2 = arith.cmpi sge, %arg0, %ge3A : i32
    %convert_element_type3A_3 = arith.extui %ge3A_2 : i1 to i32
    %cond3A_4 = arith.constant 0 : i32
    %cond3A_5 = arith.cmpi ne, %convert_element_type3A_3, %cond3A_4 : i32
    scf.if %cond3A_5 {
      %get3A = arith.constant 0 : index
      %get3A_6 = arith.constant 0 : index
      %get3A_7 = vector.load %arg3[%get3A, %get3A_6] : memref<24x128xf32, #tpu.memory_space<vmem>>, vector<24x128xf32>
      %add3A = arith.constant 1.000000e+00 : f32
      %add3A_8 = vector.broadcast %add3A : f32 to vector<24x128xf32>
      %add3A_9 = arith.addf %add3A_8, %get3A_7 : vector<24x128xf32>
      %div3A = arith.constant 1.000000e+00 : f32
      %div3A_10 = vector.broadcast %div3A : f32 to vector<24x128xf32>
      %div3A_11 = arith.divf %div3A_10, %add3A_9 : vector<24x128xf32>
      %sub3A = arith.constant 1 : i32
      %sub3A_12 = arith.subi %arg0, %sub3A : i32
      %mul3A = arith.constant 2000 : i32
      %mul3A_13 = arith.muli %sub3A_12, %mul3A : i32
      %jit3A = arith.constant 128 : i32
      %div3A_14 = arith.divsi %mul3A_13, %jit3A : i32
      %sign3A = arith.constant 0 : i32
      %sign3A_15 = arith.cmpi sgt, %mul3A_13, %sign3A : i32
      %sign3A_16 = arith.extui %sign3A_15 : i1 to i32
      %sign3A_17 = arith.constant 0 : i32
      %sign3A_18 = arith.cmpi slt, %mul3A_13, %sign3A_17 : i32
      %sign3A_19 = arith.extui %sign3A_18 : i1 to i32
      %sign3A_20 = arith.subi %sign3A_16, %sign3A_19 : i32
      %sign3A_21 = arith.constant 0 : i32
      %sign3A_22 = arith.cmpi sgt, %jit3A, %sign3A_21 : i32
      %sign3A_23 = arith.extui %sign3A_22 : i1 to i32
      %sign3A_24 = arith.constant 0 : i32
      %sign3A_25 = arith.cmpi slt, %jit3A, %sign3A_24 : i32
      %sign3A_26 = arith.extui %sign3A_25 : i1 to i32
      %sign3A_27 = arith.subi %sign3A_23, %sign3A_26 : i32
      %ne3A = arith.cmpi ne, %sign3A_20, %sign3A_27 : i32
      %rem3A = arith.remsi %mul3A_13, %jit3A : i32
      %ne3A_28 = arith.constant 0 : i32
      %ne3A_29 = arith.cmpi ne, %rem3A, %ne3A_28 : i32
      %and3A = arith.andi %ne3A, %ne3A_29 : i1
      %sub3A_30 = arith.constant 1 : i32
      %sub3A_31 = arith.subi %div3A_14, %sub3A_30 : i32
      %select_n3A = arith.select %and3A, %sub3A_31, %div3A_14 : i32
      %iota3A = tpu.iota {dimensions = array<i32: 0>} : vector<2000x1xi32>
      %add3A_32 = vector.broadcast %mul3A_13 : i32 to vector<2000x1xi32>
      %add3A_33 = arith.addi %iota3A, %add3A_32 : vector<2000x1xi32>
      %jit3A_34 = arith.constant 128 : i32
      %div3A_35 = vector.broadcast %jit3A_34 : i32 to vector<2000x1xi32>
      %div3A_36 = arith.divsi %add3A_33, %div3A_35 : vector<2000x1xi32>
      %sign3A_37 = arith.constant 0 : i32
      %sign3A_38 = vector.broadcast %sign3A_37 : i32 to vector<2000x1xi32>
      %sign3A_39 = arith.cmpi sgt, %add3A_33, %sign3A_38 : vector<2000x1xi32>
      %sign3A_40 = arith.extui %sign3A_39 : vector<2000x1xi1> to vector<2000x1xi32>
      %sign3A_41 = arith.constant 0 : i32
      %sign3A_42 = vector.broadcast %sign3A_41 : i32 to vector<2000x1xi32>
      %sign3A_43 = arith.cmpi slt, %add3A_33, %sign3A_42 : vector<2000x1xi32>
      %sign3A_44 = arith.extui %sign3A_43 : vector<2000x1xi1> to vector<2000x1xi32>
      %sign3A_45 = arith.subi %sign3A_40, %sign3A_44 : vector<2000x1xi32>
      %sign3A_46 = arith.constant 0 : i32
      %sign3A_47 = arith.cmpi sgt, %jit3A_34, %sign3A_46 : i32
      %sign3A_48 = arith.extui %sign3A_47 : i1 to i32
      %sign3A_49 = arith.constant 0 : i32
      %sign3A_50 = arith.cmpi slt, %jit3A_34, %sign3A_49 : i32
      %sign3A_51 = arith.extui %sign3A_50 : i1 to i32
      %sign3A_52 = arith.subi %sign3A_48, %sign3A_51 : i32
      %ne3A_53 = vector.broadcast %sign3A_52 : i32 to vector<2000x1xi32>
      %ne3A_54 = arith.cmpi ne, %sign3A_45, %ne3A_53 : vector<2000x1xi32>
      %rem3A_55 = vector.broadcast %jit3A_34 : i32 to vector<2000x1xi32>
      %rem3A_56 = arith.remsi %add3A_33, %rem3A_55 : vector<2000x1xi32>
      %ne3A_57 = arith.constant 0 : i32
      %ne3A_58 = vector.broadcast %ne3A_57 : i32 to vector<2000x1xi32>
      %ne3A_59 = arith.cmpi ne, %rem3A_56, %ne3A_58 : vector<2000x1xi32>
      %and3A_60 = arith.andi %ne3A_54, %ne3A_59 : vector<2000x1xi1>
      %sub3A_61 = arith.constant 1 : i32
      %sub3A_62 = vector.broadcast %sub3A_61 : i32 to vector<2000x1xi32>
      %sub3A_63 = arith.subi %div3A_36, %sub3A_62 : vector<2000x1xi32>
      %select_n3A_64 = arith.select %and3A_60, %sub3A_63, %div3A_36 : vector<2000x1xi1>, vector<2000x1xi32>
      %sub3A_65 = vector.broadcast %select_n3A : i32 to vector<2000x1xi32>
      %sub3A_66 = arith.subi %select_n3A_64, %sub3A_65 : vector<2000x1xi32>
      %iota3A_67 = tpu.iota {dimensions = array<i32: 1>} : vector<1x24xi32>
      %eq3A = vector.broadcast %sub3A_66 : vector<2000x1xi32> to vector<2000x24xi32>
      %eq3A_68 = vector.broadcast %iota3A_67 : vector<1x24xi32> to vector<2000x24xi32>
      %eq3A_69 = arith.cmpi eq, %eq3A, %eq3A_68 : vector<2000x24xi32>
      %convert_element_type3A_70 = arith.extui %eq3A_69 : vector<2000x24xi1> to vector<2000x24xi32>
      %convert_element_type3A_71 = arith.sitofp %convert_element_type3A_70 : vector<2000x24xi32> to vector<2000x24xf32>
      %dot_general3A = arith.constant dense<0.000000e+00> : vector<2000x128xf32>
      %dot_general3A_72 = tpu.matmul %convert_element_type3A_71, %div3A_11, %dot_general3A {dimension_numbers = #tpu.dot_dimension_numbers<[1], [0], [0], [1], [0, 0, 1, 1], [], []>, precision = #tpu.contract_precision<fp32>, transpose_lhs_hint = false} : vector<2000x24xf32>, vector<24x128xf32>, vector<2000x128xf32> -> vector<2000x128xf32>
      %jit3A_73 = arith.constant 128 : i32
      %eq3A_74 = arith.constant 0 : i32
      %eq3A_75 = arith.cmpi eq, %jit3A_73, %eq3A_74 : i32
      %jit3A_76 = arith.constant 1 : i32
      %select_n3A_77 = arith.select %eq3A_75, %jit3A_76, %jit3A_73 : i32
      %rem3A_78 = vector.broadcast %select_n3A_77 : i32 to vector<2000x1xi32>
      %rem3A_79 = arith.remsi %add3A_33, %rem3A_78 : vector<2000x1xi32>
      %ne3A_80 = arith.constant 0 : i32
      %ne3A_81 = vector.broadcast %ne3A_80 : i32 to vector<2000x1xi32>
      %ne3A_82 = arith.cmpi ne, %rem3A_79, %ne3A_81 : vector<2000x1xi32>
      %lt3A_83 = arith.constant 0 : i32
      %lt3A_84 = vector.broadcast %lt3A_83 : i32 to vector<2000x1xi32>
      %lt3A_85 = arith.cmpi slt, %rem3A_79, %lt3A_84 : vector<2000x1xi32>
      %lt3A_86 = arith.constant 0 : i32
      %lt3A_87 = arith.cmpi slt, %select_n3A_77, %lt3A_86 : i32
      %ne3A_88 = vector.broadcast %lt3A_87 : i1 to vector<2000x1xi1>
      %ne3A_89 = vector.broadcast %ne3A_88 : vector<2000x1xi1> to vector<2000x1xi1>
      %ne3A_90 = arith.xori %lt3A_85, %ne3A_89 : vector<2000x1xi1>
      %and3A_91 = arith.andi %ne3A_90, %ne3A_82 : vector<2000x1xi1>
      %add3A_92 = vector.broadcast %select_n3A_77 : i32 to vector<2000x1xi32>
      %add3A_93 = arith.addi %rem3A_79, %add3A_92 : vector<2000x1xi32>
      %select_n3A_94 = arith.select %and3A_91, %add3A_93, %rem3A_79 : vector<2000x1xi1>, vector<2000x1xi32>
      %iota3A_95 = tpu.iota {dimensions = array<i32: 1>} : vector<1x128xi32>
      %eq3A_96 = vector.broadcast %select_n3A_94 : vector<2000x1xi32> to vector<2000x128xi32>
      %eq3A_97 = vector.broadcast %iota3A_95 : vector<1x128xi32> to vector<2000x128xi32>
      %eq3A_98 = arith.cmpi eq, %eq3A_96, %eq3A_97 : vector<2000x128xi32>
      %jit3A_99 = arith.constant 0.000000e+00 : f32
      %broadcast_in_dim3A = vector.broadcast %jit3A_99 : f32 to vector<2000x128xf32>
      %select_n3A_100 = arith.select %eq3A_98, %dot_general3A_72, %broadcast_in_dim3A : vector<2000x128xi1>, vector<2000x128xf32>
      %reduce_sum3A = arith.constant dense<0.000000e+00> : vector<2000xf32>
      %reduce_sum3A_101 = vector.multi_reduction <add>, %select_n3A_100, %reduce_sum3A [1] : vector<2000x128xf32> to vector<2000xf32>
      %broadcast_in_dim3A_102 = vector.shape_cast %reduce_sum3A_101 : vector<2000xf32> to vector<2000x1xf32>
      %get3A_103 = arith.constant 0 : index
      %get3A_104 = arith.constant 0 : index
      %get3A_105 = vector.load %arg2[%get3A_103, %get3A_104] : memref<1x128xf32, #tpu.memory_space<vmem>>, vector<1x128xf32>
      %get3A_106 = arith.constant 0 : index
      %get3A_107 = arith.constant 0 : index
      %get3A_108 = vector.load %arg1[%get3A_106, %get3A_107] : memref<2000x128xf32, #tpu.memory_space<vmem>>, vector<2000x128xf32>
      %add3A_109 = vector.broadcast %get3A_105 : vector<1x128xf32> to vector<2000x128xf32>
      %add3A_110 = arith.addf %get3A_108, %add3A_109 : vector<2000x128xf32>
      %mul3A_111 = vector.broadcast %get3A_105 : vector<1x128xf32> to vector<2000x128xf32>
      %mul3A_112 = vector.broadcast %broadcast_in_dim3A_102 : vector<2000x1xf32> to vector<2000x128xf32>
      %mul3A_113 = arith.mulf %mul3A_111, %mul3A_112 : vector<2000x128xf32>
      %sub3A_114 = arith.constant 1.000000e+00 : f32
      %sub3A_115 = vector.broadcast %sub3A_114 : f32 to vector<2000x128xf32>
      %sub3A_116 = arith.subf %sub3A_115, %mul3A_113 : vector<2000x128xf32>
      %mul3A_117 = arith.mulf %add3A_110, %sub3A_116 : vector<2000x128xf32>
      %swap3A = arith.constant 0 : index
      %swap3A_118 = arith.constant 0 : index
      %swap3A_119 = vector.load %arg4[%swap3A, %swap3A_118] : memref<2000x128xf32, #tpu.memory_space<vmem>>, vector<2000x128xf32>
      tpu.vector_store %arg4[%swap3A, %swap3A_118], %mul3A_117 {strides = array<i32>} : memref<2000x128xf32, #tpu.memory_space<vmem>>, vector<2000x128xf32>,
    } else {
    }
    return
  }
  func.func @transform_0(%arg0: i32) -> (i32, i32) {
    %c0_i32 = arith.constant 0 : i32
    %c0_i32_0 = arith.constant 0 : i32
    return %arg0, %c0_i32 : i32, i32
  }
  func.func @transform_1(%arg0: i32) -> (i32, i32) {
    %c0_i32 = arith.constant 0 : i32
    %c0_i32_0 = arith.constant 0 : i32
    %c0_i32_1 = arith.constant 0 : i32
    return %c0_i32, %c0_i32_0 : i32, i32
  }
  func.func @transform_2(%arg0: i32) -> (i32, i32) {
    %sub3A = arith.constant 1 : i32
    %sub3A_0 = arith.subi %arg0, %sub3A : i32
    %max3A = arith.constant 0 : i32
    %max3A_1 = arith.maxsi %sub3A_0, %max3A : i32
    %c0_i32 = arith.constant 0 : i32
    %c0_i32_2 = arith.constant 0 : i32
    return %max3A_1, %c0_i32 : i32, i32
  }
  func.func @transform_3(%arg0: i32) -> (i32, i32) {
    %c0_i32 = arith.constant 0 : i32
    %c0_i32_0 = arith.constant 0 : i32
    return %arg0, %c0_i32 : i32, i32
  }
}

module attributes {stable_mosaic.version = 14 : i64} {
  func.func @_tc_colsum_body(%arg0: i32, %arg1: memref<2000x128xf32, #tpu.memory_space<vmem>>, %arg2: memref<1x128xf32, #tpu.memory_space<vmem>>) attributes {dimension_semantics = [#tpu.dimension_semantics<arbitrary>], iteration_bounds = array<i64: 4>, scalar_prefetch = 0 : i64, scratch_operands = 0 : i64, tpu.core_type = #tpu.core_type<tc>, window_params = [{transform_indices = @transform_0, window_bounds = array<i64: 2000, 128>}, {pipeline_mode = #tpu.pipeline_mode<synchronous>, transform_indices = @transform_1, window_bounds = array<i64: 1, 128>}]} {
    %eq3A = arith.constant 0 : i32
    %eq3A_0 = arith.cmpi eq, %arg0, %eq3A : i32
    %convert_element_type3A = arith.extui %eq3A_0 : i1 to i32
    %cond3A = arith.constant 0 : i32
    %cond3A_1 = arith.cmpi ne, %convert_element_type3A, %cond3A : i32
    scf.if %cond3A_1 {
      %broadcast_in_dim3A_10 = arith.constant 0.000000e+00 : f32
      %broadcast_in_dim3A_11 = vector.broadcast %broadcast_in_dim3A_10 : f32 to vector<1x128xf32>
      %swap3A_12 = arith.constant 0 : index
      %swap3A_13 = arith.constant 0 : index
      %swap3A_14 = vector.load %arg2[%swap3A_12, %swap3A_13] : memref<1x128xf32, #tpu.memory_space<vmem>>, vector<1x128xf32>
      tpu.vector_store %arg2[%swap3A_12, %swap3A_13], %broadcast_in_dim3A_11 {strides = array<i32>} : memref<1x128xf32, #tpu.memory_space<vmem>>, vector<1x128xf32>,
    } else {
    }
    %get3A = arith.constant 0 : index
    %get3A_2 = arith.constant 0 : index
    %get3A_3 = vector.load %arg2[%get3A, %get3A_2] : memref<1x128xf32, #tpu.memory_space<vmem>>, vector<1x128xf32>
    %get3A_4 = arith.constant 0 : index
    %get3A_5 = arith.constant 0 : index
    %get3A_6 = vector.load %arg1[%get3A_4, %get3A_5] : memref<2000x128xf32, #tpu.memory_space<vmem>>, vector<2000x128xf32>
    %reduce_sum3A = arith.constant dense<0.000000e+00> : vector<128xf32>
    %reduce_sum3A_7 = vector.multi_reduction <add>, %get3A_6, %reduce_sum3A [0] : vector<2000x128xf32> to vector<128xf32>
    %broadcast_in_dim3A = vector.shape_cast %reduce_sum3A_7 : vector<128xf32> to vector<1x128xf32>
    %add3A = arith.addf %get3A_3, %broadcast_in_dim3A : vector<1x128xf32>
    %swap3A = arith.constant 0 : index
    %swap3A_8 = arith.constant 0 : index
    %swap3A_9 = vector.load %arg2[%swap3A, %swap3A_8] : memref<1x128xf32, #tpu.memory_space<vmem>>, vector<1x128xf32>
    tpu.vector_store %arg2[%swap3A, %swap3A_8], %add3A {strides = array<i32>} : memref<1x128xf32, #tpu.memory_space<vmem>>, vector<1x128xf32>,
    return
  }
  func.func @transform_0(%arg0: i32) -> (i32, i32) {
    %add3A = arith.constant 1 : i32
    %add3A_0 = arith.addi %arg0, %add3A : i32
    %c0_i32 = arith.constant 0 : i32
    %c0_i32_1 = arith.constant 0 : i32
    return %add3A_0, %c0_i32 : i32, i32
  }
  func.func @transform_1(%arg0: i32) -> (i32, i32) {
    %c0_i32 = arith.constant 0 : i32
    %c0_i32_0 = arith.constant 0 : i32
    %c0_i32_1 = arith.constant 0 : i32
    return %c0_i32, %c0_i32_0 : i32, i32
  }
}

</mosaic_0001>

<sc_bundles>
// kernel: kernel.5.cloned.1.call-start
scs
__scs_entry_jumppad:
0x0: {  	(pc) =	sbr.rel $0x88, $3  }
0x1: {  	(tag) =	ssettag $0x0;
	lr =	simm.s32 $0x1  }
0x2: {  	[smem:$0x3F9F] =	sst lr;
	_ =	strace $0xD0000000  }
0x3: {  	_ = 	snop  }
0x4: {  	_ = 	snop  }
0x5: {  	_ = 	snop  }
0x6: {  	_ = 	snop  }
0x7: {  	_ = 	snop  }
__scs_overlays_trampoline_lowered:
0x8: {  	[smem:$0x3FAE] =	sst s0  }
0x9: {  	[smem:$0x3FAF] =	sst s1  }
0xa: {  	[smem:$0x3FB0] =	sst s2  }
0xb: {  	[smem:$0x3FB1] =	sst s3  }
0xc: {  	[smem:$0x3FB2] =	sst s4  }
0xd: {  	[smem:$0x3FB3] =	sst s5  }
0xe: {  	[smem:$0x3FB4] =	sst s6  }
0xf: {  	[smem:$0x3FB5] =	sst s7  }
0x10: {  	[smem:$0x3FB6] =	sst s8  }
0x11: {  	[smem:$0x3FB7] =	sst s9;
	s0 =	simm.s32 @!p0 $0x0  }
0x12: {  	s1 =	sld [smem:$0x3F9D];
	s0 =	simm.s32 @p0 $0x1  }
0x13: {  	[smem:$0x3FB8] =	sst s0;
	s0 =	simm.s32 @!p1 $0x0  }
0x14: {  	s2 =	sld [smem:$0x3F9C];
	s0 =	simm.s32 @p1 $0x1  }
0x15: {  	[smem:$0x3FB9] =	sst s0;
	s0 =	simm.s32 @!p2 $0x0  }
0x16: {  	s3 =	sld [smem:$0x3FDB];
	s0 =	simm.s32 @p2 $0x1  }
0x17: {  	s4 =	simm.s32 $0x1BF5;
	[smem:$0x3FBB] =	sst s0  }
0x18: {  	s0 =	sld [smem:$0x3F9E];
	_ =	swait.ge [sflag:s4], $0x0  }
0x19: {  	s7 =	sld [smem:$0x3F9F]  }
0x1a: {  	s8 =	sadd.s32 $0xFFFFE003, lr  }
0x1b: {  	s9 =	sadd.s32 $0xFFFFFEF7, lr;
	s5 =	simm.s32 $0xFFFFFFFF;
	p2 =	slt.u32 s8, $0xFFFFF086  }
0x1c: {  	p1 =	slt.u32 s9, $0xF7A;
	s5 =	simm.s32 @!p2 $0x0  }
0x1d: {  	s5 =	simm.s32 @p1 $0x1;
	p0 =	seq.s32 s7, s2  }
0x1e: {  	s7 =	smul.u32 @!p0 $0xF7A, s2;
	p2 =	seq.s32 @!p0 s5, $0x0  }
0x1f: {  	s9 =	smul.u32 $0xF7A, s1;
	s8 =	simm.s32 @!p0 $0x1BF5;
	p2 =	por !p2, p0  }
0x20: {  	[sflag:s8] =	ssyncset.s32 @!p0 $0xFFFFF086;
	s6 =	sadd.s32 @!p0 s3, s7;
	s7 =	simm.s32 @!p0 $0x108  }
0x21: {  	s3 =	sadd.s32 s3, s9;
	s6 =	sadd.s32 @!p0 $0x88, s6;
	s7 =	simm.s32 @p2 $0x1082  }
0x22: {  	[simem:s7], [sflag:s8] =	dma.local @!p0 [hbm:s6], $0xF7A  }
0x23: {  	s9 =	sor.u32 $0xD0000000, s2;
	s6 =	simm.s32 $0x108;
	_ =	swait.ge @!p0 [sflag:s8], $0x0  }
0x24: {  	s3 =	sadd.s32 $0x88, s3;
	s6 =	simm.s32 @!p1 $0x1082;
	[sflag:s4] =	ssyncset.s32 $0xFFFFF086  }
0x25: {  	[simem:s6], [sflag:s4] =	dma.local [hbm:s3], $0xF7A  }
0x26: {  	[smem:$0x3F9F] =	sst s1;
	(tag) =	ssettag s2;
	_ =	strace s9  }
0x27: {  	s1 =	sld [smem:$0x3FAF]  }
0x28: {  	s2 =	sld [smem:$0x3FB0]  }
0x29: {  	s4 =	sld [smem:$0x3FB2]  }
0x2a: {  	p0 =	seq.s32 s5, $0x0;
	s5 =	sld [smem:$0x3FB3]  }
0x2b: {  	s6 =	sld [smem:$0x3FB4]  }
0x2c: {  	s7 =	sld [smem:$0x3FB5]  }
0x2d: {  	s3 =	simm.s32 $0x108;
	s8 =	sld [smem:$0x3FB6]  }
0x2e: {  	s3 =	simm.s32 @!p0 $0x1082;
	s9 =	sld [smem:$0x3FB7]  }
0x2f: {  	lr =	sadd.s32 s0, s3;
	s0 =	sld [smem:$0x3FAE]  }
0x30: {  	s3 =	sld [smem:$0x3FB1]  }
0x31: {  	[smem:$0x3FBA] =	sst s10  }
0x32: {  	s10 =	sld [smem:$0x3FB8];
	_ =	sdelay $0x3  }
0x33: {  	p0 =	seq.s32 s10, $0x1;
	s10 =	sld [smem:$0x3FBA];
	_ =	sdelay $0x3  }
0x34: {  	[smem:$0x3FBA] =	sst s10  }
0x35: {  	s10 =	sld [smem:$0x3FB9];
	_ =	sdelay $0x3  }
0x36: {  	p1 =	seq.s32 s10, $0x1;
	s10 =	sld [smem:$0x3FBA];
	_ =	sdelay $0x3  }
0x37: {  	[smem:$0x3FBA] =	sst s10  }
0x38: {  	s10 =	sld [smem:$0x3FBB]  }
0x39: {  	_ = 	snop;
	(pc) =	sbr.ind lr, $3  }
0x3a: {  	_ = 	snop  }
0x3b: {  	_ = 	snop  }
0x3c: {  	p2 =	seq.s32 s10, $0x1;
	s10 =	sld [smem:$0x3FBA]  }
0x3d: {  	_ =	shalt  }
0x3e: {  	_ =	shalt  }
0x3f: {  	_ =	shalt  }
0x40: {  	_ =	shalt  }
0x41: {  	_ =	shalt  }
0x42: {  	_ =	shalt  }
0x43: {  	_ =	shalt  }
0x44: {  	_ =	shalt  }
0x45: {  	_ =	shalt  }
0x46: {  	_ =	shalt  }
0x47: {  	_ =	shalt  }
0x48: {  	_ =	shalt  }
0x49: {  	_ =	shalt  }
0x4a: {  	_ =	shalt  }
0x4b: {  	_ =	shalt  }
0x4c: {  	_ =	shalt  }
0x4d: {  	_ =	shalt  }
0x4e: {  	_ =	shalt  }
0x4f: {  	_ =	shalt  }
0x50: {  	_ =	shalt  }
0x51: {  	_ =	shalt  }
0x52: {  	_ =	shalt  }
0x53: {  	_ =	shalt  }
0x54: {  	_ =	shalt  }
0x55: {  	_ =	shalt  }
0x56: {  	_ =	shalt  }
0x57: {  	_ =	shalt  }
0x58: {  	_ =	shalt  }
0x59: {  	_ =	shalt  }
0x5a: {  	_ =	shalt  }
0x5b: {  	_ =	shalt  }
0x5c: {  	_ =	shalt  }
0x5d: {  	_ =	shalt  }
0x5e: {  	_ =	shalt  }
0x5f: {  	_ =	shalt  }
0x60: {  	_ =	shalt  }
0x61: {  	_ =	shalt  }
0x62: {  	_ =	shalt  }
0x63: {  	_ =	shalt  }
0x64: {  	_ =	shalt  }
0x65: {  	_ =	shalt  }
0x66: {  	_ =	shalt  }
0x67: {  	_ =	shalt  }
0x68: {  	_ =	shalt  }
0x69: {  	_ =	shalt  }
0x6a: {  	_ =	shalt  }
0x6b: {  	_ =	shalt  }
0x6c: {  	_ =	shalt  }
0x6d: {  	_ =	shalt  }
0x6e: {  	_ =	shalt  }
0x6f: {  	_ =	shalt  }
0x70: {  	_ =	shalt  }
0x71: {  	_ =	shalt  }
0x72: {  	_ =	shalt  }
0x73: {  	_ =	shalt  }
0x74: {  	_ =	shalt  }
0x75: {  	_ =	shalt  }
0x76: {  	_ =	shalt  }
0x77: {  	_ =	shalt  }
0x78: {  	_ =	shalt  }
0x79: {  	_ =	shalt  }
0x7a: {  	_ =	shalt  }
0x7b: {  	_ =	shalt  }
0x7c: {  	_ =	shalt  }
0x7d: {  	_ =	shalt  }
0x7e: {  	_ =	shalt  }
0x7f: {  	_ =	shalt  }
0x80: {  	_ =	shalt  }
0x81: {  	_ =	shalt  }
0x82: {  	_ =	shalt  }
0x83: {  	_ =	shalt  }
0x84: {  	_ =	shalt  }
0x85: {  	_ =	shalt  }
0x86: {  	_ =	shalt  }
0x87: {  	_ =	shalt  }
.Lfunc_end0:
.L_simem_size_0:
called_computation_lowered:
.L_overlay_start_0:
0x88: {  	s2 =	sld [smem:$0x3FD9]  }
0x89: {  	s3 =	sld [smem:$0x3FFE];
	_ =	sdelay $0x1  }
0x8a: {  	s1 =	srdreg.scid  }
0x8b: {  	s0 =	sand.u32 $0x1, s1  }
0x8c: {  	s17 =	sshll.u32 s0, $0xA;
	s2 =	sadd.s32 s3, s2  }
0x8d: {  	s2 =	sadd.s32 s2, s17  }
0x8e: {  	[smem:$0x3FC6] =	sst s2  }
0x8f: {  	_ = 	snop  }
0x90: {  	s2 =	sld [smem:$0x3FC8]  }
0x91: {  	s18 =	sld [smem:$0x3FD0];
	(tm) =	ssettm $0x1  }
0x92: {  	s4 =	sld [smem:$0x3FFB];
	_ =	sdelay $0x3  }
0x93: {  	_ =	strace s4  }
0x94: {  	s4 =	sld [smem:$0x3FFC];
	_ =	sdelay $0x3  }
0x95: {  	_ =	strace s4  }
0x96: {  	s4 =	sld [smem:$0x3FFD];
	_ =	sdelay $0x3  }
0x97: {  	_ =	strace s4  }
0x98: {  	_ =	strace $0x8FFFFFFF  }
0x99: {  	s19 =	sld [smem:$0x3FDB];
	_ =	sdelay $0x1  }
0x9a: {  	s5 =	simm.s32 $_scs_section_size  }
0x9b: {  	s6 =	simm.s32 $_size__tile_overlayer_lowered;
	s7 =	simm.s32 $_tile_overlayer_lowered  }
0x9c: {  	s22 =	simm.s32 $0x1BFF;
	s21 =	sshll.u32 s7, $0x1;
	s4 =	sadd.s32 s5, s19  }
0x9d: {  	s8 =	simm.s32 $0x0;
	s20 =	sshll.u32 s6, $0x1;
	s6 =	sadd.s32 s21, s4  }
0x9e: {  	[timem:s8], [sflag:s22] =	dma.local [hbm:s6], s20  }
0x9f: {  	_ =	swait.ge [sflag:s22], s20  }
0xa0: {  	s5 =	ssub.s32 $0x0, s20;
	[sflag:s22] =	ssyncset.done $0x0  }
0xa1: {  	[sflag:s22] =	ssyncadd.s32 s5;
	_ =	sdelay $0x1  }
0xa2: {  	s23 =	simm.s32 $0x1B8B  }
0xa3: {  	_ =	swait.ge [sflag:s23], $0x1  }
0xa4: {  	[sflag:s23] =	ssyncset.done $0x0  }
0xa5: {  	s25 =	simm.s32 $0x1B8E;
	s24 =	sld [smem:$0x3FFE];
	[sflag:s23] =	ssyncadd.s32 $0xFFFFFFFF  }
0xa6: {  	s26 =	simm.s32 $execute0_lowered;
	[smem:$0x3FD2] =	sst s25  }
0xa7: {  	s6 =	sshll.u32 s26, $0x1;
	_ =	strace $0x80000046;
	[dreg:$0x1] =	wrdreg $0xFFFFFFFF  }
0xa8: {  	s28 =	simm.s32 $_size_execute0_lowered;
	s4 =	sadd.s32 s4, s6;
	[dreg:$0x0] =	wrdreg $0x0  }
0xa9: {  	s6 =	sshll.u32 s28, $0x1;
	[dreg:$0x2] =	wrdreg s4  }
0xaa: {  	[dreg:$0x3] =	wrdreg s6  }
0xab: {  	[dreg:$0x4] =	wrdreg $0xC0  }
0xac: {  	_ =	task [dreg:s8], $0x5FFFF  }
0xad: {  	[dreg:$0x1] =	wrdreg $0xFFFFFFFF  }
0xae: {  	[dreg:$0x0] =	wrdreg $0x60  }
0xaf: {  	[dreg:$0x2] =	wrdreg s2  }
0xb0: {  	[dreg:$0x3] =	wrdreg s18  }
0xb1: {  	[dreg:$0x4] =	wrdreg s24  }
0xb2: {  	[dreg:$0x5] =	wrdreg $0x12800  }
0xb3: {  	[dreg:$0x6] =	wrdreg $0x9  }
0xb4: {  	_ =	task.clear_ibuf [dreg:s8], $0x7FFFF;
	_ =	strace $0x90000046  }
0xb5: {  	s29 =	simm.s32 $0x9;
	_ =	strace $0x80000048  }
0xb6: {  	_ =	swait.ge [sflag:s29], $0x1  }
0xb7: {  	[sflag:s29] =	ssyncadd.s32 $0xFFFFFFFF  }
0xb8: {  	_ =	strace $0x90000048  }
0xb9: {  	_ =	sfence  }
0xba: {  	s30 =	sld [smem:$0x0];
	_ =	sdelay $0x2  }
0xbb: {  	s31 =	sshll.u32 s1, $0xD;
	s1 =	sshrl.u32 s1, $0x2  }
0xbc: {  	s3 =	sand.u32 $0x4000, s31;
	s1 =	sadd.s32 s1, s30  }
0xbd: {  	s0 =	sor.u32 s3, s0;
	s1 =	sshll.u32 s1, $0x11  }
0xbe: {  	s0 =	sor.u32 s1, s0  }
0xbf: {  	s0 =	sadd.s32 $0x8F2B, s0  }
0xc0: {  	[sflag:s0] =	ssyncadd.remote.s32 $0x1  }
0xc1: {  	_ =	sfence.sel $0xFFFF  }
0xc2: {  	[dreg:$0x0] =	wrdreg $0xFFFFFFFF;
	(pc) =	sbr.abs _section_cstart, $3  }
0xc3: {  	[dreg:$0x1] =	wrdreg $0xFFFFFFFF  }
0xc4: {  	_ =	task.clear_ibuf [dreg:s8], $0x2FFFF;
	_ =	strace $0x9FFFFFFF  }
0xc5: {  	(tm) =	ssettm $0x7FFFFFFF  }
tec
execute0_lowered:
.L_overlay_start_1:
0x0: {  	(tag) =	ssettag $0x1  }
0x1: {  	s5 =	rddreg [dreg:$0x0]  }
0x2: {  	s1 =	rddreg [dreg:$0x1]  }
0x3: {  	s6 =	rddreg [dreg:$0x2]  }
0x4: {  	s2 =	rddreg [dreg:$0x3]  }
0x5: {  	[dreg:$0x5] =	wrdreg s1  }
0x6: {  	s3 =	simm.s32 $0x0;
	s1 =	rddreg [dreg:$0x4]  }
0x7: {  	[smem:$0x7FF] =	sst s3;
	s6 =	sadd.s32 $0xA00, s6  }
0x8: {  	s9 =	simm.s32 $0x180;
	_ =	strace $0x80000047;
	[dreg:$0x6] =	wrdreg s6  }
0x9: {  	s10 =	simm.s32 $0x200;
	[dreg:$0xc] =	wrdreg s9  }
0xa: {  	s11 =	simm.s32 $0x280;
	[dreg:$0xd] =	wrdreg s10  }
0xb: {  	s12 =	simm.s32 $0x300;
	[dreg:$0xe] =	wrdreg s11  }
0xc: {  	s13 =	simm.s32 $0x380;
	[dreg:$0xf] =	wrdreg s12  }
0xd: {  	s14 =	simm.s32 $0x400;
	[dreg:$0x10] =	wrdreg s13  }
0xe: {  	s15 =	simm.s32 $0x480;
	[dreg:$0x11] =	wrdreg s14  }
0xf: {  	s16 =	simm.s32 $0x500;
	[dreg:$0x12] =	wrdreg s15  }
0x10: {  	s17 =	simm.s32 $0x580;
	[dreg:$0x13] =	wrdreg s16  }
0x11: {  	s18 =	simm.s32 $0x600;
	[dreg:$0x14] =	wrdreg s17  }
0x12: {  	s0 =	srdreg.scid;
	s19 =	simm.s32 $0x680;
	[dreg:$0x15] =	wrdreg s18  }
0x13: {  	s20 =	simm.s32 $0x700;
	s21 =	simm.s32 $0x780;
	[dreg:$0x16] =	wrdreg s19  }
0x14: {  	s23 =	simm.s32 $0x800;
	s22 =	sand.u32 $0x1, s0;
	[dreg:$0x17] =	wrdreg s20  }
0x15: {  	s0 =	stileid.u32;
	s29 =	sshll.u32 s22, $0x4;
	[dreg:$0x18] =	wrdreg s21  }
0x16: {  	s24 =	simm.s32 $0x880;
	[dreg:$0x19] =	wrdreg s23;
	s4 =	sor.u32 s0, s29  }
0x17: {  	s25 =	simm.s32 $0x900;
	[dreg:$0x1a] =	wrdreg s24;
	s7 =	smul.u32 $0x1F, s4  }
0x18: {  	s26 =	simm.s32 $0x980;
	s28 =	simm.s32 $0xA00;
	[dreg:$0x1b] =	wrdreg s25  }
0x19: {  	p0 =	slt.u32 s4, $0x8;
	s8 =	sshll.u32 s4, $0x5;
	s7 =	sadd.s32 $0x8, s7  }
0x1a: {  	s30 =	sshll.u32 s0, $0x9;
	[dreg:$0x1c] =	wrdreg s26;
	s7 =	smov.u32 @p0 s8  }
0x1b: {  	[dreg:$0x1d] =	wrdreg s28;
	s6 =	sadd.s32 s30, s2;
	s7 =	sshll.u32 s7, $0x4  }
0x1c: {  	[dreg:$0x9] =	wrdreg s6;
	s8 =	simm.s32 $0x100;
	s7 =	sand.u32 $0x1FFFFFF0, s7  }
0x1d: {  	[dreg:$0xb] =	wrdreg s8;
	s31 =	sadd.s32 s5, s7  }
0x1e: {  	s5 =	sadd.s32 s30, s5;
	s7 =	simm.s32 $0x1080;
	[dreg:$0x7] =	wrdreg s31  }
0x1f: {  	s5 =	sadd.s32 $0x1F0, s5;
	[dreg:$0xa] =	wrdreg s7  }
0x20: {  	p0 =	sgt.u32 s4, $0x7;
	[dreg:$0x8] =	wrdreg s5  }
0x21: {  	s4 =	simm.s32 @!p0 $0xF80;
	s6 =	rddreg [dreg:$0x7]  }
0x22: {  	[tilespmem:s3], [sflag:$0x1] =	stream.linear.gather [hbm4b:s6+s3], $0xF80, $0x38;
	[tilespmem:$0x1480] =	vst v63  }
0x23: {  	s5 =	simm.s32 @!p0 $0x0;
	s7 =	rddreg [dreg:$0x8];
	s6 =	simm.s32 @!p0 $0x3  }
0x24: {  	[tilespmem:s4], [sflag:$0x3] =	stream.linear.gather @!p0 [hbm4b:s7+s5], $0x80, $0x38;
	[tilespmem:$0x1480] =	vst v63  }
0x25: {  	_ =	swait.ge @!p0 [sflag:s6], $0x80  }
0x26: {  	[sflag:s6] =	ssyncset.done @!p0 $0x0  }
0x27: {  	v0 =	vimm.f32 $1.000000000e+00;
	[sflag:s6] =	ssyncadd.s32 @!p0 $0xFFFFFF80  }
0x28: {  	v1 =	vimm.f32 $0.0e+00;
	[tilespmem:$0x1070] =	vst v0  }
0x29: {  	[tilespmem:$0x1080] =	vst v1  }
0x2a: {  	[tilespmem:$0x1060] =	vst v0  }
0x2b: {  	[tilespmem:$0x1050] =	vst v0  }
0x2c: {  	[tilespmem:$0x1040] =	vst v0  }
0x2d: {  	[tilespmem:$0x1030] =	vst v0  }
0x2e: {  	[tilespmem:$0x1020] =	vst v0  }
0x2f: {  	[tilespmem:$0x1010] =	vst v0  }
0x30: {  	[tilespmem:$0x1000] =	vst v0  }
0x31: {  	[tilespmem:$0x1270] =	vst v1  }
0x32: {  	[tilespmem:$0x1260] =	vst v1  }
0x33: {  	[tilespmem:$0x1250] =	vst v1  }
0x34: {  	[tilespmem:$0x1240] =	vst v1  }
0x35: {  	[tilespmem:$0x1230] =	vst v1  }
0x36: {  	[tilespmem:$0x1220] =	vst v1  }
0x37: {  	[tilespmem:$0x1210] =	vst v1  }
0x38: {  	[tilespmem:$0x1200] =	vst v1  }
0x39: {  	[tilespmem:$0x11F0] =	vst v1  }
0x3a: {  	[tilespmem:$0x11E0] =	vst v1  }
0x3b: {  	[tilespmem:$0x11D0] =	vst v1  }
0x3c: {  	[tilespmem:$0x11C0] =	vst v1  }
0x3d: {  	[tilespmem:$0x11B0] =	vst v1  }
0x3e: {  	[tilespmem:$0x11A0] =	vst v1  }
0x3f: {  	[tilespmem:$0x1190] =	vst v1  }
0x40: {  	[tilespmem:$0x1180] =	vst v1  }
0x41: {  	[tilespmem:$0x1170] =	vst v1  }
0x42: {  	[tilespmem:$0x1160] =	vst v1  }
0x43: {  	[tilespmem:$0x1150] =	vst v1  }
0x44: {  	[tilespmem:$0x1140] =	vst v1  }
0x45: {  	[tilespmem:$0x1130] =	vst v1  }
0x46: {  	[tilespmem:$0x1120] =	vst v1  }
0x47: {  	[tilespmem:$0x1110] =	vst v1  }
0x48: {  	[tilespmem:$0x1100] =	vst v1  }
0x49: {  	[tilespmem:$0x10F0] =	vst v1  }
0x4a: {  	[tilespmem:$0x10E0] =	vst v1  }
0x4b: {  	[tilespmem:$0x10D0] =	vst v1  }
0x4c: {  	[tilespmem:$0x10C0] =	vst v1  }
0x4d: {  	[tilespmem:$0x10B0] =	vst v1  }
0x4e: {  	s29 =	rddreg [dreg:$0xa];
	[tilespmem:$0x10A0] =	vst v1  }
0x4f: {  	s7 =	simm.s32 $0x3;
	s9 =	rddreg [dreg:$0x9];
	[tilespmem:$0x1090] =	vst v1  }
0x50: {  	[spmem:s9] =	stream.linear.scatter [tilespmem:s29], [sflag:$0x3], $0x200, $0x38;
	[tilespmem:$0x1480] =	vst v63  }
0x51: {  	_ =	swait.ge [sflag:s7], $0x200  }
0x52: {  	[sflag:s7] =	ssyncset.done $0x0  }
0x53: {  	s8 =	simm.s32 $0x1;
	[sflag:s7] =	ssyncadd.s32 $0xFFFFFE00  }
0x54: {  	_ =	swait.ge [sflag:s8], $0xF80  }
0x55: {  	[sflag:s8] =	ssyncset.done $0x0  }
0x56: {  	[sflag:s8] =	ssyncadd.s32 $0xFFFFF080  }
0x57: {  	s10 =	simm.s32 $0x1000;
	s9 =	simm.s32 $0x80;
	[bflag:$0x0] =	sbarrier.arrive $0xFFFF  }
0x58: {  	[spmem:s2] =	stream.indirect.scatter.add.f32 [tilespmem:s10], [sflag:$0x2], $0x1, s3, s9, $0xb8;
	[tilespmem:$0x1480] =	vst v63  }
0x59: {  	_ = 	snop  }
0x5a: {  	[spmem:s2] =	stream.indirect.scatter.add.f32 [tilespmem:s10], [sflag:$0x2], $0x1, s9, s9, $0xb8;
	[tilespmem:$0x1480] =	vst v63  }
0x5b: {  	s11 =	rddreg [dreg:$0xb]  }
0x5c: {  	[spmem:s2] =	stream.indirect.scatter.add.f32 [tilespmem:s10], [sflag:$0x2], $0x1, s11, s9, $0xb8;
	[tilespmem:$0x1480] =	vst v63  }
0x5d: {  	s12 =	rddreg [dreg:$0xc]  }
0x5e: {  	[spmem:s2] =	stream.indirect.scatter.add.f32 [tilespmem:s10], [sflag:$0x2], $0x1, s12, s9, $0xb8;
	[tilespmem:$0x1480] =	vst v63  }
0x5f: {  	s30 =	rddreg [dreg:$0xd]  }
0x60: {  	[spmem:s2] =	stream.indirect.scatter.add.f32 [tilespmem:s10], [sflag:$0x2], $0x1, s30, s9, $0xb8;
	[tilespmem:$0x1480] =	vst v63  }
0x61: {  	s31 =	rddreg [dreg:$0xe]  }
0x62: {  	[spmem:s2] =	stream.indirect.scatter.add.f32 [tilespmem:s10], [sflag:$0x2], $0x1, s31, s9, $0xb8;
	[tilespmem:$0x1480] =	vst v63  }
0x63: {  	s13 =	rddreg [dreg:$0xf]  }
0x64: {  	[spmem:s2] =	stream.indirect.scatter.add.f32 [tilespmem:s10], [sflag:$0x2], $0x1, s13, s9, $0xb8;
	[tilespmem:$0x1480] =	vst v63  }
0x65: {  	s14 =	rddreg [dreg:$0x10]  }
0x66: {  	[spmem:s2] =	stream.indirect.scatter.add.f32 [tilespmem:s10], [sflag:$0x2], $0x1, s14, s9, $0xb8;
	[tilespmem:$0x1480] =	vst v63  }
0x67: {  	s15 =	rddreg [dreg:$0x11]  }
0x68: {  	[spmem:s2] =	stream.indirect.scatter.add.f32 [tilespmem:s10], [sflag:$0x2], $0x1, s15, s9, $0xb8;
	[tilespmem:$0x1480] =	vst v63  }
0x69: {  	s16 =	rddreg [dreg:$0x12]  }
0x6a: {  	[spmem:s2] =	stream.indirect.scatter.add.f32 [tilespmem:s10], [sflag:$0x2], $0x1, s16, s9, $0xb8;
	[tilespmem:$0x1480] =	vst v63  }
0x6b: {  	s17 =	rddreg [dreg:$0x13]  }
0x6c: {  	[spmem:s2] =	stream.indirect.scatter.add.f32 [tilespmem:s10], [sflag:$0x2], $0x1, s17, s9, $0xb8;
	[tilespmem:$0x1480] =	vst v63  }
0x6d: {  	s18 =	rddreg [dreg:$0x14]  }
0x6e: {  	[spmem:s2] =	stream.indirect.scatter.add.f32 [tilespmem:s10], [sflag:$0x2], $0x1, s18, s9, $0xb8;
	[tilespmem:$0x1480] =	vst v63  }
0x6f: {  	s19 =	rddreg [dreg:$0x15]  }
0x70: {  	[spmem:s2] =	stream.indirect.scatter.add.f32 [tilespmem:s10], [sflag:$0x2], $0x1, s19, s9, $0xb8;
	[tilespmem:$0x1480] =	vst v63  }
0x71: {  	s20 =	rddreg [dreg:$0x16]  }
0x72: {  	[spmem:s2] =	stream.indirect.scatter.add.f32 [tilespmem:s10], [sflag:$0x2], $0x1, s20, s9, $0xb8;
	[tilespmem:$0x1480] =	vst v63  }
0x73: {  	s21 =	rddreg [dreg:$0x17]  }
0x74: {  	[spmem:s2] =	stream.indirect.scatter.add.f32 [tilespmem:s10], [sflag:$0x2], $0x1, s21, s9, $0xb8;
	[tilespmem:$0x1480] =	vst v63  }
0x75: {  	s23 =	rddreg [dreg:$0x18]  }
0x76: {  	[spmem:s2] =	stream.indirect.scatter.add.f32 [tilespmem:s10], [sflag:$0x2], $0x1, s23, s9, $0xb8;
	[tilespmem:$0x1480] =	vst v63  }
0x77: {  	s24 =	rddreg [dreg:$0x19]  }
0x78: {  	[spmem:s2] =	stream.indirect.scatter.add.f32 [tilespmem:s10], [sflag:$0x2], $0x1, s24, s9, $0xb8;
	[tilespmem:$0x1480] =	vst v63  }
0x79: {  	s25 =	rddreg [dreg:$0x1a]  }
0x7a: {  	[spmem:s2] =	stream.indirect.scatter.add.f32 [tilespmem:s10], [sflag:$0x2], $0x1, s25, s9, $0xb8;
	[tilespmem:$0x1480] =	vst v63  }
0x7b: {  	s26 =	rddreg [dreg:$0x1b]  }
0x7c: {  	[spmem:s2] =	stream.indirect.scatter.add.f32 [tilespmem:s10], [sflag:$0x2], $0x1, s26, s9, $0xb8;
	[tilespmem:$0x1480] =	vst v63  }
0x7d: {  	s28 =	rddreg [dreg:$0x1c]  }
0x7e: {  	[spmem:s2] =	stream.indirect.scatter.add.f32 [tilespmem:s10], [sflag:$0x2], $0x1, s28, s9, $0xb8;
	[tilespmem:$0x1480] =	vst v63  }
0x7f: {  	s29 =	rddreg [dreg:$0x1d]  }
0x80: {  	[spmem:s2] =	stream.indirect.scatter.add.f32 [tilespmem:s10], [sflag:$0x2], $0x1, s29, s9, $0xb8;
	[tilespmem:$0x1480] =	vst v63  }
0x81: {  	s12 =	simm.s32 $0xA80  }
0x82: {  	[spmem:s2] =	stream.indirect.scatter.add.f32 [tilespmem:s10], [sflag:$0x2], $0x1, s12, s9, $0xb8;
	[tilespmem:$0x1480] =	vst v63  }
0x83: {  	s13 =	simm.s32 $0xB00  }
0x84: {  	[spmem:s2] =	stream.indirect.scatter.add.f32 [tilespmem:s10], [sflag:$0x2], $0x1, s13, s9, $0xb8;
	[tilespmem:$0x1480] =	vst v63  }
0x85: {  	s14 =	simm.s32 $0xB80  }
0x86: {  	[spmem:s2] =	stream.indirect.scatter.add.f32 [tilespmem:s10], [sflag:$0x2], $0x1, s14, s9, $0xb8;
	[tilespmem:$0x1480] =	vst v63  }
0x87: {  	s15 =	simm.s32 $0xC00  }
0x88: {  	[spmem:s2] =	stream.indirect.scatter.add.f32 [tilespmem:s10], [sflag:$0x2], $0x1, s15, s9, $0xb8;
	[tilespmem:$0x1480] =	vst v63  }
0x89: {  	s16 =	simm.s32 $0xC80  }
0x8a: {  	[spmem:s2] =	stream.indirect.scatter.add.f32 [tilespmem:s10], [sflag:$0x2], $0x1, s16, s9, $0xb8;
	[tilespmem:$0x1480] =	vst v63  }
0x8b: {  	s17 =	simm.s32 $0xD00  }
0x8c: {  	[spmem:s2] =	stream.indirect.scatter.add.f32 [tilespmem:s10], [sflag:$0x2], $0x1, s17, s9, $0xb8;
	[tilespmem:$0x1480] =	vst v63  }
0x8d: {  	s18 =	simm.s32 $0xD80  }
0x8e: {  	[spmem:s2] =	stream.indirect.scatter.add.f32 [tilespmem:s10], [sflag:$0x2], $0x1, s18, s9, $0xb8;
	[tilespmem:$0x1480] =	vst v63  }
0x8f: {  	s19 =	simm.s32 $0xE00  }
0x90: {  	[spmem:s2] =	stream.indirect.scatter.add.f32 [tilespmem:s10], [sflag:$0x2], $0x1, s19, s9, $0xb8;
	[tilespmem:$0x1480] =	vst v63  }
0x91: {  	s20 =	simm.s32 $0xE80  }
0x92: {  	[spmem:s2] =	stream.indirect.scatter.add.f32 [tilespmem:s10], [sflag:$0x2], $0x1, s20, s9, $0xb8;
	[tilespmem:$0x1480] =	vst v63  }
0x93: {  	s11 =	simm.s32 $0x2;
	s21 =	simm.s32 $0xF00  }
0x94: {  	[spmem:s2] =	stream.indirect.scatter.add.f32 [tilespmem:s10], [sflag:$0x2], $0x1, s21, s9, $0xb8;
	[tilespmem:$0x1480] =	vst v63  }
0x95: {  	_ =	swait.ge [sflag:s11], $0x80  }
0x96: {  	[sflag:s11] =	ssyncset.done $0x0  }
0x97: {  	[sflag:s11] =	ssyncadd.s32 $0xFFFFFF80  }
0x98: {  	_ =	swait.ge [sflag:s11], $0x80  }
0x99: {  	[sflag:s11] =	ssyncset.done $0x0  }
0x9a: {  	[sflag:s11] =	ssyncadd.s32 $0xFFFFFF80  }
0x9b: {  	_ =	swait.ge [sflag:s11], $0x80  }
0x9c: {  	[sflag:s11] =	ssyncset.done $0x0  }
0x9d: {  	[sflag:s11] =	ssyncadd.s32 $0xFFFFFF80  }
0x9e: {  	_ =	swait.ge [sflag:s11], $0x80  }
0x9f: {  	[sflag:s11] =	ssyncset.done $0x0  }
0xa0: {  	[sflag:s11] =	ssyncadd.s32 $0xFFFFFF80  }
0xa1: {  	_ =	swait.ge [sflag:s11], $0x80  }
0xa2: {  	[sflag:s11] =	ssyncset.done $0x0  }
0xa3: {  	[sflag:s11] =	ssyncadd.s32 $0xFFFFFF80  }
0xa4: {  	_ =	swait.ge [sflag:s11], $0x80  }
0xa5: {  	[sflag:s11] =	ssyncset.done $0x0  }
0xa6: {  	[sflag:s11] =	ssyncadd.s32 $0xFFFFFF80  }
0xa7: {  	_ =	swait.ge [sflag:s11], $0x80  }
0xa8: {  	[sflag:s11] =	ssyncset.done $0x0  }
0xa9: {  	[sflag:s11] =	ssyncadd.s32 $0xFFFFFF80  }
0xaa: {  	_ =	swait.ge [sflag:s11], $0x80  }
0xab: {  	[sflag:s11] =	ssyncset.done $0x0  }
0xac: {  	[sflag:s11] =	ssyncadd.s32 $0xFFFFFF80  }
0xad: {  	_ =	swait.ge [sflag:s11], $0x80  }
0xae: {  	[sflag:s11] =	ssyncset.done $0x0  }
0xaf: {  	[sflag:s11] =	ssyncadd.s32 $0xFFFFFF80  }
0xb0: {  	_ =	swait.ge [sflag:s11], $0x80  }
0xb1: {  	[sflag:s11] =	ssyncset.done $0x0  }
0xb2: {  	[sflag:s11] =	ssyncadd.s32 $0xFFFFFF80  }
0xb3: {  	_ =	swait.ge [sflag:s11], $0x80  }
0xb4: {  	[sflag:s11] =	ssyncset.done $0x0  }
0xb5: {  	[sflag:s11] =	ssyncadd.s32 $0xFFFFFF80  }
0xb6: {  	_ =	swait.ge [sflag:s11], $0x80  }
0xb7: {  	[sflag:s11] =	ssyncset.done $0x0  }
0xb8: {  	[sflag:s11] =	ssyncadd.s32 $0xFFFFFF80  }
0xb9: {  	_ =	swait.ge [sflag:s11], $0x80  }
0xba: {  	[sflag:s11] =	ssyncset.done $0x0  }
0xbb: {  	[sflag:s11] =	ssyncadd.s32 $0xFFFFFF80  }
0xbc: {  	_ =	swait.ge [sflag:s11], $0x80  }
0xbd: {  	[sflag:s11] =	ssyncset.done $0x0  }
0xbe: {  	[sflag:s11] =	ssyncadd.s32 $0xFFFFFF80  }
0xbf: {  	_ =	swait.ge [sflag:s11], $0x80  }
0xc0: {  	[sflag:s11] =	ssyncset.done $0x0  }
0xc1: {  	[sflag:s11] =	ssyncadd.s32 $0xFFFFFF80  }
0xc2: {  	_ =	swait.ge [sflag:s11], $0x80  }
0xc3: {  	[sflag:s11] =	ssyncset.done $0x0  }
0xc4: {  	[sflag:s11] =	ssyncadd.s32 $0xFFFFFF80  }
0xc5: {  	_ =	swait.ge [sflag:s11], $0x80  }
0xc6: {  	[sflag:s11] =	ssyncset.done $0x0  }
0xc7: {  	[sflag:s11] =	ssyncadd.s32 $0xFFFFFF80  }
0xc8: {  	_ =	swait.ge [sflag:s11], $0x80  }
0xc9: {  	[sflag:s11] =	ssyncset.done $0x0  }
0xca: {  	[sflag:s11] =	ssyncadd.s32 $0xFFFFFF80  }
0xcb: {  	_ =	swait.ge [sflag:s11], $0x80  }
0xcc: {  	[sflag:s11] =	ssyncset.done $0x0  }
0xcd: {  	[sflag:s11] =	ssyncadd.s32 $0xFFFFFF80  }
0xce: {  	s23 =	ssub.s32 $0x2, s22;
	_ =	swait.ge [sflag:s11], $0x80  }
0xcf: {  	s24 =	sshrl.u32 s23, $0x1;
	[sflag:s11] =	ssyncset.done $0x0  }
0xd0: {  	s23 =	ssub.s32 s23, s24;
	[sflag:s11] =	ssyncadd.s32 $0xFFFFFF80  }
0xd1: {  	s31 =	smax.u32 s23, $0x1;
	_ =	swait.ge [sflag:s11], $0x80  }
0xd2: {  	s25 =	sadd.s32 $0xFFFFFFFF, s31;
	[sflag:s11] =	ssyncset.done $0x0  }
0xd3: {  	p1 =	seq.s32 s0, $0x0;
	p3 =	sne.s32 s25, $0x0;
	[sflag:s11] =	ssyncadd.s32 $0xFFFFFF80  }
.Ltmp0:
0xd4: {  	p2 =	seq.s32 s22, $0x1;
	_ =	swait.ge [sflag:s11], $0x80;
	(pc) =	sbr.rel @!p3 .LBB2_2-.Ltmp0, $4  }
0xd5: {  	p1 =	por !p1, !p2;
	[sflag:s11] =	ssyncset.done $0x0  }
0xd6: {  	p1 =	por !p1, !p1;
	s30 =	sor.u32 s22, s0;
	[sflag:s11] =	ssyncadd.s32 $0xFFFFFF80  }
0xd7: {  	p2 =	sne.s32 s30, $0x0;
	s22 =	sshrl.u32 @p1 s2, $0x3;
	_ =	swait.ge [sflag:s11], $0x80  }
0xd8: {  	s24 =	sshll.u32 @!p2 s0, $0x6;
	s23 =	sshrl.u32 @!p2 s2, $0x3;
	[sflag:s11] =	ssyncset.done $0x0  }
.LBB2_1:
0xd9: {  	[sflag:s11] =	ssyncadd.s32 $0xFFFFFF80  }
0xda: {  	_ =	swait.ge [sflag:s11], $0x80  }
0xdb: {  	[sflag:s11] =	ssyncset.done $0x0  }
0xdc: {  	[sflag:s11] =	ssyncadd.s32 $0xFFFFFF80  }
0xdd: {  	_ =	swait.ge [sflag:s11], $0x80  }
0xde: {  	[sflag:s11] =	ssyncset.done $0x0  }
0xdf: {  	[sflag:s11] =	ssyncadd.s32 $0xFFFFFF80  }
0xe0: {  	_ =	swait.ge [sflag:s11], $0x80  }
0xe1: {  	[sflag:s11] =	ssyncset.done $0x0  }
0xe2: {  	[sflag:s11] =	ssyncadd.s32 $0xFFFFFF80  }
0xe3: {  	_ =	swait.ge [sflag:s11], $0x80  }
0xe4: {  	[sflag:s11] =	ssyncset.done $0x0  }
0xe5: {  	[sflag:s11] =	ssyncadd.s32 $0xFFFFFF80  }
0xe6: {  	_ =	swait.ge [sflag:s11], $0x80  }
0xe7: {  	[sflag:s11] =	ssyncset.done $0x0  }
0xe8: {  	[sflag:s11] =	ssyncadd.s32 $0xFFFFFF80  }
0xe9: {  	_ =	swait.ge [sflag:s11], $0x80  }
0xea: {  	[sflag:s11] =	ssyncset.done $0x0  }
0xeb: {  	[sflag:s11] =	ssyncadd.s32 $0xFFFFFF80  }
0xec: {  	_ =	swait.ge [sflag:s11], $0x80  }
0xed: {  	[sflag:s11] =	ssyncset.done $0x0  }
0xee: {  	[sflag:s11] =	ssyncadd.s32 $0xFFFFFF80  }
0xef: {  	_ =	swait.ge [sflag:s11], $0x80  }
0xf0: {  	s26 =	simm.s32 @!p0 $0x2;
	[sflag:s11] =	ssyncset.done $0x0  }
0xf1: {  	s28 =	simm.s32 @!p0 $0x80;
	s29 =	simm.s32 @!p0 $0x1000;
	[sflag:s11] =	ssyncadd.s32 $0xFFFFFF80  }
0xf2: {  	[spmem:s2] =	stream.indirect.scatter.add.f32 @!p0 [tilespmem:s29], [sflag:$0x2], $0x1, s4, s28, $0xb8;
	[tilespmem:$0x1480] =	vst v63  }
0xf3: {  	_ =	swait.ge @!p0 [sflag:s26], $0x80  }
0xf4: {  	[sflag:s26] =	ssyncset.done @!p0 $0x0  }
0xf5: {  	[sflag:s26] =	ssyncadd.s32 @!p0 $0xFFFFFF80  }
0xf6: {  	[bflag:$0x0] =	sbarrier.arrive $0xFFFF  }
0xf7: {  	s28 =	sor.u32 @!p2 $0x1C03, s24;
	s29 =	simm.s32 @!p2 $0x3;
	s26 =	rddreg [dreg:$0x5]  }
0xf8: {  	[hbm:s26], [sflag:s28] =	dma.local @!p2 [spmem:s23], $0x400  }
0xf9: {  	_ =	swait.ge @!p2 [sflag:s29], $0x400  }
0xfa: {  	s28 =	simm.s32 @p1 $0x1C03;
	[sflag:s29] =	ssyncset.done @!p2 $0x0  }
0xfb: {  	s26 =	rddreg [dreg:$0x6];
	[sflag:s29] =	ssyncadd.s32 @!p2 $0xFFFFFC00;
	s29 =	simm.s32 @p1 $0x3  }
0xfc: {  	[hbm:s26], [sflag:s28] =	dma.local @p1 [spmem:s22], $0x400  }
0xfd: {  	_ =	swait.ge @p1 [sflag:s29], $0x400  }
0xfe: {  	[sflag:s29] =	ssyncset.done @p1 $0x0  }
0xff: {  	s31 =	rddreg [dreg:$0x7];
	[sflag:s29] =	ssyncadd.s32 @p1 $0xFFFFFC00  }
0x100: {  	[tilespmem:s3], [sflag:$0x1] =	stream.linear.gather [hbm4b:s31+s3], $0xF80, $0x38;
	[tilespmem:$0x1480] =	vst v63  }
0x101: {  	s28 =	rddreg [dreg:$0x8]  }
0x102: {  	[tilespmem:s4], [sflag:$0x3] =	stream.linear.gather @!p0 [hbm4b:s28+s5], $0x80, $0x38;
	[tilespmem:$0x1480] =	vst v63  }
0x103: {  	_ =	swait.ge @!p0 [sflag:s6], $0x80  }
0x104: {  	[sflag:s6] =	ssyncset.done @!p0 $0x0  }
0x105: {  	[sflag:s6] =	ssyncadd.s32 @!p0 $0xFFFFFF80  }
0x106: {  	[tilespmem:$0x1070] =	vst v0  }
0x107: {  	[tilespmem:$0x1080] =	vst v1  }
0x108: {  	[tilespmem:$0x1060] =	vst v0  }
0x109: {  	[tilespmem:$0x1050] =	vst v0  }
0x10a: {  	[tilespmem:$0x1040] =	vst v0  }
0x10b: {  	[tilespmem:$0x1030] =	vst v0  }
0x10c: {  	[tilespmem:$0x1020] =	vst v0  }
0x10d: {  	[tilespmem:$0x1010] =	vst v0  }
0x10e: {  	[tilespmem:$0x1000] =	vst v0  }
0x10f: {  	[tilespmem:$0x1270] =	vst v1  }
0x110: {  	[tilespmem:$0x1260] =	vst v1  }
0x111: {  	[tilespmem:$0x1250] =	vst v1  }
0x112: {  	[tilespmem:$0x1240] =	vst v1  }
0x113: {  	[tilespmem:$0x1230] =	vst v1  }
0x114: {  	[tilespmem:$0x1220] =	vst v1  }
0x115: {  	[tilespmem:$0x1210] =	vst v1  }
0x116: {  	[tilespmem:$0x1200] =	vst v1  }
0x117: {  	[tilespmem:$0x11F0] =	vst v1  }
0x118: {  	[tilespmem:$0x11E0] =	vst v1  }
0x119: {  	[tilespmem:$0x11D0] =	vst v1  }
0x11a: {  	[tilespmem:$0x11C0] =	vst v1  }
0x11b: {  	[tilespmem:$0x11B0] =	vst v1  }
0x11c: {  	[tilespmem:$0x11A0] =	vst v1  }
0x11d: {  	[tilespmem:$0x1190] =	vst v1  }
0x11e: {  	[tilespmem:$0x1180] =	vst v1  }
0x11f: {  	[tilespmem:$0x1170] =	vst v1  }
0x120: {  	[tilespmem:$0x1160] =	vst v1  }
0x121: {  	[tilespmem:$0x1150] =	vst v1  }
0x122: {  	[tilespmem:$0x1140] =	vst v1  }
0x123: {  	[tilespmem:$0x1130] =	vst v1  }
0x124: {  	[tilespmem:$0x1120] =	vst v1  }
0x125: {  	[tilespmem:$0x1110] =	vst v1  }
0x126: {  	[tilespmem:$0x1100] =	vst v1  }
0x127: {  	[tilespmem:$0x10F0] =	vst v1  }
0x128: {  	[tilespmem:$0x10E0] =	vst v1  }
0x129: {  	[tilespmem:$0x10D0] =	vst v1  }
0x12a: {  	[tilespmem:$0x10C0] =	vst v1  }
0x12b: {  	[tilespmem:$0x10B0] =	vst v1  }
0x12c: {  	s29 =	rddreg [dreg:$0xa];
	[tilespmem:$0x10A0] =	vst v1  }
0x12d: {  	s30 =	rddreg [dreg:$0x9];
	[tilespmem:$0x1090] =	vst v1  }
0x12e: {  	[spmem:s30] =	stream.linear.scatter [tilespmem:s29], [sflag:$0x3], $0x200, $0x38;
	[tilespmem:$0x1480] =	vst v63  }
0x12f: {  	_ =	swait.ge [sflag:s7], $0x200  }
0x130: {  	[sflag:s7] =	ssyncset.done $0x0  }
0x131: {  	[sflag:s7] =	ssyncadd.s32 $0xFFFFFE00  }
0x132: {  	_ =	swait.ge [sflag:s8], $0xF80  }
0x133: {  	[sflag:s8] =	ssyncset.done $0x0  }
0x134: {  	[sflag:s8] =	ssyncadd.s32 $0xFFFFF080  }
0x135: {  	[bflag:$0x0] =	sbarrier.arrive $0xFFFF  }
0x136: {  	[spmem:s2] =	stream.indirect.scatter.add.f32 [tilespmem:s10], [sflag:$0x2], $0x1, s3, s9, $0xb8;
	[tilespmem:$0x1480] =	vst v63  }
0x137: {  	_ = 	snop  }
0x138: {  	[spmem:s2] =	stream.indirect.scatter.add.f32 [tilespmem:s10], [sflag:$0x2], $0x1, s9, s9, $0xb8;
	[tilespmem:$0x1480] =	vst v63  }
0x139: {  	s31 =	rddreg [dreg:$0xb]  }
0x13a: {  	[spmem:s2] =	stream.indirect.scatter.add.f32 [tilespmem:s10], [sflag:$0x2], $0x1, s31, s9, $0xb8;
	[tilespmem:$0x1480] =	vst v63  }
0x13b: {  	s29 =	rddreg [dreg:$0xc]  }
0x13c: {  	[spmem:s2] =	stream.indirect.scatter.add.f32 [tilespmem:s10], [sflag:$0x2], $0x1, s29, s9, $0xb8;
	[tilespmem:$0x1480] =	vst v63  }
0x13d: {  	s30 =	rddreg [dreg:$0xd]  }
0x13e: {  	[spmem:s2] =	stream.indirect.scatter.add.f32 [tilespmem:s10], [sflag:$0x2], $0x1, s30, s9, $0xb8;
	[tilespmem:$0x1480] =	vst v63  }
0x13f: {  	s31 =	rddreg [dreg:$0xe]  }
0x140: {  	[spmem:s2] =	stream.indirect.scatter.add.f32 [tilespmem:s10], [sflag:$0x2], $0x1, s31, s9, $0xb8;
	[tilespmem:$0x1480] =	vst v63  }
0x141: {  	s29 =	rddreg [dreg:$0xf]  }
0x142: {  	[spmem:s2] =	stream.indirect.scatter.add.f32 [tilespmem:s10], [sflag:$0x2], $0x1, s29, s9, $0xb8;
	[tilespmem:$0x1480] =	vst v63  }
0x143: {  	s30 =	rddreg [dreg:$0x10]  }
0x144: {  	[spmem:s2] =	stream.indirect.scatter.add.f32 [tilespmem:s10], [sflag:$0x2], $0x1, s30, s9, $0xb8;
	[tilespmem:$0x1480] =	vst v63  }
0x145: {  	s31 =	rddreg [dreg:$0x11]  }
0x146: {  	[spmem:s2] =	stream.indirect.scatter.add.f32 [tilespmem:s10], [sflag:$0x2], $0x1, s31, s9, $0xb8;
	[tilespmem:$0x1480] =	vst v63  }
0x147: {  	s29 =	rddreg [dreg:$0x12]  }
0x148: {  	[spmem:s2] =	stream.indirect.scatter.add.f32 [tilespmem:s10], [sflag:$0x2], $0x1, s29, s9, $0xb8;
	[tilespmem:$0x1480] =	vst v63  }
0x149: {  	s30 =	rddreg [dreg:$0x13]  }
0x14a: {  	[spmem:s2] =	stream.indirect.scatter.add.f32 [tilespmem:s10], [sflag:$0x2], $0x1, s30, s9, $0xb8;
	[tilespmem:$0x1480] =	vst v63  }
0x14b: {  	s31 =	rddreg [dreg:$0x14]  }
0x14c: {  	[spmem:s2] =	stream.indirect.scatter.add.f32 [tilespmem:s10], [sflag:$0x2], $0x1, s31, s9, $0xb8;
	[tilespmem:$0x1480] =	vst v63  }
0x14d: {  	s29 =	rddreg [dreg:$0x15]  }
0x14e: {  	[spmem:s2] =	stream.indirect.scatter.add.f32 [tilespmem:s10], [sflag:$0x2], $0x1, s29, s9, $0xb8;
	[tilespmem:$0x1480] =	vst v63  }
0x14f: {  	s30 =	rddreg [dreg:$0x16]  }
0x150: {  	[spmem:s2] =	stream.indirect.scatter.add.f32 [tilespmem:s10], [sflag:$0x2], $0x1, s30, s9, $0xb8;
	[tilespmem:$0x1480] =	vst v63  }
0x151: {  	s31 =	rddreg [dreg:$0x17]  }
0x152: {  	[spmem:s2] =	stream.indirect.scatter.add.f32 [tilespmem:s10], [sflag:$0x2], $0x1, s31, s9, $0xb8;
	[tilespmem:$0x1480] =	vst v63  }
0x153: {  	s29 =	rddreg [dreg:$0x18]  }
0x154: {  	[spmem:s2] =	stream.indirect.scatter.add.f32 [tilespmem:s10], [sflag:$0x2], $0x1, s29, s9, $0xb8;
	[tilespmem:$0x1480] =	vst v63  }
0x155: {  	s30 =	rddreg [dreg:$0x19]  }
0x156: {  	[spmem:s2] =	stream.indirect.scatter.add.f32 [tilespmem:s10], [sflag:$0x2], $0x1, s30, s9, $0xb8;
	[tilespmem:$0x1480] =	vst v63  }
0x157: {  	s31 =	rddreg [dreg:$0x1a]  }
0x158: {  	[spmem:s2] =	stream.indirect.scatter.add.f32 [tilespmem:s10], [sflag:$0x2], $0x1, s31, s9, $0xb8;
	[tilespmem:$0x1480] =	vst v63  }
0x159: {  	s29 =	rddreg [dreg:$0x1b]  }
0x15a: {  	[spmem:s2] =	stream.indirect.scatter.add.f32 [tilespmem:s10], [sflag:$0x2], $0x1, s29, s9, $0xb8;
	[tilespmem:$0x1480] =	vst v63  }
0x15b: {  	s30 =	rddreg [dreg:$0x1c]  }
0x15c: {  	[spmem:s2] =	stream.indirect.scatter.add.f32 [tilespmem:s10], [sflag:$0x2], $0x1, s30, s9, $0xb8;
	[tilespmem:$0x1480] =	vst v63  }
0x15d: {  	s31 =	rddreg [dreg:$0x1d]  }
0x15e: {  	[spmem:s2] =	stream.indirect.scatter.add.f32 [tilespmem:s10], [sflag:$0x2], $0x1, s31, s9, $0xb8;
	[tilespmem:$0x1480] =	vst v63  }
0x15f: {  	_ = 	snop  }
0x160: {  	[spmem:s2] =	stream.indirect.scatter.add.f32 [tilespmem:s10], [sflag:$0x2], $0x1, s12, s9, $0xb8;
	[tilespmem:$0x1480] =	vst v63  }
0x161: {  	_ = 	snop  }
0x162: {  	[spmem:s2] =	stream.indirect.scatter.add.f32 [tilespmem:s10], [sflag:$0x2], $0x1, s13, s9, $0xb8;
	[tilespmem:$0x1480] =	vst v63  }
0x163: {  	_ = 	snop  }
0x164: {  	[spmem:s2] =	stream.indirect.scatter.add.f32 [tilespmem:s10], [sflag:$0x2], $0x1, s14, s9, $0xb8;
	[tilespmem:$0x1480] =	vst v63  }
0x165: {  	_ = 	snop  }
0x166: {  	[spmem:s2] =	stream.indirect.scatter.add.f32 [tilespmem:s10], [sflag:$0x2], $0x1, s15, s9, $0xb8;
	[tilespmem:$0x1480] =	vst v63  }
0x167: {  	_ = 	snop  }
0x168: {  	[spmem:s2] =	stream.indirect.scatter.add.f32 [tilespmem:s10], [sflag:$0x2], $0x1, s16, s9, $0xb8;
	[tilespmem:$0x1480] =	vst v63  }
0x169: {  	_ = 	snop  }
0x16a: {  	[spmem:s2] =	stream.indirect.scatter.add.f32 [tilespmem:s10], [sflag:$0x2], $0x1, s17, s9, $0xb8;
	[tilespmem:$0x1480] =	vst v63  }
0x16b: {  	_ = 	snop  }
0x16c: {  	[spmem:s2] =	stream.indirect.scatter.add.f32 [tilespmem:s10], [sflag:$0x2], $0x1, s18, s9, $0xb8;
	[tilespmem:$0x1480] =	vst v63  }
0x16d: {  	_ = 	snop  }
0x16e: {  	[spmem:s2] =	stream.indirect.scatter.add.f32 [tilespmem:s10], [sflag:$0x2], $0x1, s19, s9, $0xb8;
	[tilespmem:$0x1480] =	vst v63  }
0x16f: {  	_ = 	snop  }
0x170: {  	[spmem:s2] =	stream.indirect.scatter.add.f32 [tilespmem:s10], [sflag:$0x2], $0x1, s20, s9, $0xb8;
	[tilespmem:$0x1480] =	vst v63  }
0x171: {  	_ = 	snop  }
0x172: {  	[spmem:s2] =	stream.indirect.scatter.add.f32 [tilespmem:s10], [sflag:$0x2], $0x1, s21, s9, $0xb8;
	[tilespmem:$0x1480] =	vst v63  }
0x173: {  	_ =	swait.ge [sflag:s11], $0x80  }
0x174: {  	[sflag:s11] =	ssyncset.done $0x0  }
0x175: {  	[sflag:s11] =	ssyncadd.s32 $0xFFFFFF80  }
0x176: {  	_ =	swait.ge [sflag:s11], $0x80  }
0x177: {  	[sflag:s11] =	ssyncset.done $0x0  }
0x178: {  	[sflag:s11] =	ssyncadd.s32 $0xFFFFFF80  }
0x179: {  	_ =	swait.ge [sflag:s11], $0x80  }
0x17a: {  	[sflag:s11] =	ssyncset.done $0x0  }
0x17b: {  	[sflag:s11] =	ssyncadd.s32 $0xFFFFFF80  }
0x17c: {  	_ =	swait.ge [sflag:s11], $0x80  }
0x17d: {  	[sflag:s11] =	ssyncset.done $0x0  }
0x17e: {  	[sflag:s11] =	ssyncadd.s32 $0xFFFFFF80  }
0x17f: {  	_ =	swait.ge [sflag:s11], $0x80  }
0x180: {  	[sflag:s11] =	ssyncset.done $0x0  }
0x181: {  	[sflag:s11] =	ssyncadd.s32 $0xFFFFFF80  }
0x182: {  	_ =	swait.ge [sflag:s11], $0x80  }
0x183: {  	[sflag:s11] =	ssyncset.done $0x0  }
0x184: {  	[sflag:s11] =	ssyncadd.s32 $0xFFFFFF80  }
0x185: {  	_ =	swait.ge [sflag:s11], $0x80  }
0x186: {  	[sflag:s11] =	ssyncset.done $0x0  }
0x187: {  	[sflag:s11] =	ssyncadd.s32 $0xFFFFFF80  }
0x188: {  	_ =	swait.ge [sflag:s11], $0x80  }
0x189: {  	[sflag:s11] =	ssyncset.done $0x0  }
0x18a: {  	[sflag:s11] =	ssyncadd.s32 $0xFFFFFF80  }
0x18b: {  	_ =	swait.ge [sflag:s11], $0x80  }
0x18c: {  	[sflag:s11] =	ssyncset.done $0x0  }
0x18d: {  	[sflag:s11] =	ssyncadd.s32 $0xFFFFFF80  }
0x18e: {  	_ =	swait.ge [sflag:s11], $0x80  }
0x18f: {  	[sflag:s11] =	ssyncset.done $0x0  }
0x190: {  	[sflag:s11] =	ssyncadd.s32 $0xFFFFFF80  }
0x191: {  	_ =	swait.ge [sflag:s11], $0x80  }
0x192: {  	[sflag:s11] =	ssyncset.done $0x0  }
0x193: {  	[sflag:s11] =	ssyncadd.s32 $0xFFFFFF80  }
0x194: {  	_ =	swait.ge [sflag:s11], $0x80  }
0x195: {  	[sflag:s11] =	ssyncset.done $0x0  }
0x196: {  	[sflag:s11] =	ssyncadd.s32 $0xFFFFFF80  }
0x197: {  	_ =	swait.ge [sflag:s11], $0x80  }
0x198: {  	[sflag:s11] =	ssyncset.done $0x0  }
0x199: {  	[sflag:s11] =	ssyncadd.s32 $0xFFFFFF80  }
0x19a: {  	_ =	swait.ge [sflag:s11], $0x80  }
0x19b: {  	[sflag:s11] =	ssyncset.done $0x0  }
0x19c: {  	[sflag:s11] =	ssyncadd.s32 $0xFFFFFF80  }
0x19d: {  	_ =	swait.ge [sflag:s11], $0x80  }
0x19e: {  	[sflag:s11] =	ssyncset.done $0x0  }
0x19f: {  	[sflag:s11] =	ssyncadd.s32 $0xFFFFFF80  }
0x1a0: {  	_ =	swait.ge [sflag:s11], $0x80  }
0x1a1: {  	[sflag:s11] =	ssyncset.done $0x0  }
0x1a2: {  	[sflag:s11] =	ssyncadd.s32 $0xFFFFFF80  }
0x1a3: {  	_ =	swait.ge [sflag:s11], $0x80  }
0x1a4: {  	[sflag:s11] =	ssyncset.done $0x0  }
0x1a5: {  	[sflag:s11] =	ssyncadd.s32 $0xFFFFFF80  }
0x1a6: {  	_ =	swait.ge [sflag:s11], $0x80  }
0x1a7: {  	[sflag:s11] =	ssyncset.done $0x0  }
0x1a8: {  	[sflag:s11] =	ssyncadd.s32 $0xFFFFFF80  }
0x1a9: {  	_ =	swait.ge [sflag:s11], $0x80  }
0x1aa: {  	[sflag:s11] =	ssyncset.done $0x0  }
0x1ab: {  	[sflag:s11] =	ssyncadd.s32 $0xFFFFFF80  }
0x1ac: {  	_ =	swait.ge [sflag:s11], $0x80  }
0x1ad: {  	[sflag:s11] =	ssyncset.done $0x0  }
0x1ae: {  	[sflag:s11] =	ssyncadd.s32 $0xFFFFFF80  }
0x1af: {  	_ =	swait.ge [sflag:s11], $0x80  }
0x1b0: {  	s25 =	sadd.s32 $0xFFFFFFFF, s25;
	[sflag:s11] =	ssyncset.done $0x0  }
0x1b1: {  	p3 =	sne.s32 s25, $0x0;
	[sflag:s11] =	ssyncadd.s32 $0xFFFFFF80  }
.Ltmp1:
0x1b2: {  	_ =	swait.ge [sflag:s11], $0x80;
	(pc) =	sbr.rel @p3 .LBB2_1-.Ltmp1, $4  }
0x1b3: {  	[sflag:s11] =	ssyncset.done $0x0  }
0x1b4: {  	[sflag:s11] =	ssyncadd.s32 $0xFFFFFF80  }
0x1b5: {  	_ =	swait.ge [sflag:s11], $0x80  }
0x1b6: {  	[sflag:s11] =	ssyncset.done $0x0  }
.LBB2_2:
0x1b7: {  	[sflag:s11] =	ssyncadd.s32 $0xFFFFFF80  }
0x1b8: {  	_ =	swait.ge [sflag:s11], $0x80  }
0x1b9: {  	[sflag:s11] =	ssyncset.done $0x0  }
0x1ba: {  	[sflag:s11] =	ssyncadd.s32 $0xFFFFFF80  }
0x1bb: {  	_ =	swait.ge [sflag:s11], $0x80  }
0x1bc: {  	[sflag:s11] =	ssyncset.done $0x0  }
0x1bd: {  	[sflag:s11] =	ssyncadd.s32 $0xFFFFFF80  }
0x1be: {  	_ =	swait.ge [sflag:s11], $0x80  }
0x1bf: {  	[sflag:s11] =	ssyncset.done $0x0  }
0x1c0: {  	[sflag:s11] =	ssyncadd.s32 $0xFFFFFF80  }
0x1c1: {  	_ =	swait.ge [sflag:s11], $0x80  }
0x1c2: {  	[sflag:s11] =	ssyncset.done $0x0  }
0x1c3: {  	[sflag:s11] =	ssyncadd.s32 $0xFFFFFF80  }
0x1c4: {  	_ =	swait.ge [sflag:s11], $0x80  }
0x1c5: {  	[sflag:s11] =	ssyncset.done $0x0  }
0x1c6: {  	[sflag:s11] =	ssyncadd.s32 $0xFFFFFF80  }
0x1c7: {  	_ =	swait.ge [sflag:s11], $0x80  }
0x1c8: {  	[sflag:s11] =	ssyncset.done $0x0  }
0x1c9: {  	[sflag:s11] =	ssyncadd.s32 $0xFFFFFF80  }
0x1ca: {  	_ =	swait.ge [sflag:s11], $0x80  }
0x1cb: {  	[sflag:s11] =	ssyncset.done $0x0  }
0x1cc: {  	[sflag:s11] =	ssyncadd.s32 $0xFFFFFF80  }
0x1cd: {  	_ =	swait.ge [sflag:s11], $0x80  }
0x1ce: {  	s3 =	simm.s32 @!p0 $0x2;
	[sflag:s11] =	ssyncset.done $0x0  }
0x1cf: {  	s5 =	simm.s32 @!p0 $0x80;
	s6 =	simm.s32 @!p0 $0x1000;
	[sflag:s11] =	ssyncadd.s32 $0xFFFFFF80  }
0x1d0: {  	[spmem:s2] =	stream.indirect.scatter.add.f32 @!p0 [tilespmem:s6], [sflag:$0x2], $0x1, s4, s5, $0xb8;
	[tilespmem:$0x1480] =	vst v63  }
0x1d1: {  	_ =	swait.ge @!p0 [sflag:s3], $0x80  }
0x1d2: {  	[sflag:s3] =	ssyncset.done @!p0 $0x0  }
0x1d3: {  	[sflag:s3] =	ssyncadd.s32 @!p0 $0xFFFFFF80  }
0x1d4: {  	[bflag:$0x0] =	sbarrier.arrive $0xFFFF  }
0x1d5: {  	s4 =	simm.s32 @!p2 $0x3;
	s3 =	sor.u32 @!p2 $0x1C03, s24;
	s2 =	rddreg [dreg:$0x5]  }
0x1d6: {  	[hbm:s2], [sflag:s3] =	dma.local @!p2 [spmem:s23], $0x400  }
0x1d7: {  	_ =	swait.ge @!p2 [sflag:s4], $0x400  }
0x1d8: {  	s3 =	simm.s32 @p1 $0x1C03;
	[sflag:s4] =	ssyncset.done @!p2 $0x0  }
0x1d9: {  	s2 =	rddreg [dreg:$0x6];
	[sflag:s4] =	ssyncadd.s32 @!p2 $0xFFFFFC00;
	s4 =	simm.s32 @p1 $0x3  }
0x1da: {  	[hbm:s2], [sflag:s3] =	dma.local @p1 [spmem:s22], $0x400  }
0x1db: {  	_ =	swait.ge @p1 [sflag:s4], $0x400  }
0x1dc: {  	[sflag:s4] =	ssyncset.done @p1 $0x0  }
0x1dd: {  	[sflag:s4] =	ssyncadd.s32 @p1 $0xFFFFFC00  }
0x1de: {  	_ =	sfence.sel $0x180000  }
0x1df: {  	[bflag:$0x0] =	sbarrier.arrive $0xFFFF  }
0x1e0: {  	p0 =	sne.s32 s0, $0x0;
	_ =	strace $0x90000047  }
0x1e1: {  	s0 =	sadd.s32 @!p0 $0x100000, s1;
	[bflag:$0x2] =	sbarrier.arrive $0xFFFF  }
0x1e2: {  	[sflag:s0] =	ssyncadd.tile.s32 @!p0 $0x1;
	_ =	shalt  }
.Lfunc_end2:
_tile_overlayer_lowered:
.L_overlay_start_2:
0x1e3: {  	(tag) =	ssettag $0x2  }
0x1e4: {  	s0 =	rddreg [dreg:$0x0];
	s2 =	stileid.u32  }
0x1e5: {  	s1 =	rddreg [dreg:$0x1];
	p0 =	sne.s32 s2, $0x0  }
0x1e6: {  	s3 =	rddreg [dreg:$0x2];
	[bflag:$0x3] =	sbarrier.arrive $0xFFFF;
	s2 =	simm.s32 @!p0 $0x1C03  }
0x1e7: {  	[timem:s3], [sflag:s2] =	dma.local @!p0 [hbm:s0], s1  }
0x1e8: {  	s0 =	simm.s32 @!p0 $0x3  }
0x1e9: {  	_ =	swait.ge @!p0 [sflag:s0], s1  }
0x1ea: {  	s1 =	ssub.s32 @!p0 $0x0, s1;
	[sflag:s0] =	ssyncset.done @!p0 $0x0  }
0x1eb: {  	[sflag:s0] =	ssyncadd.s32 @!p0 s1  }
0x1ec: {  	[bflag:$0x3] =	sbarrier.arrive $0xFFFF  }
0x1ed: {  	_ =	shalt  }

</sc_bundles>
